<compile_context>
chip_gen: v7x
topology: tpu7x:2x2x1
jax: 0.10.2.dev20260603
libtpu: 0.0.44.dev20260713+nightly
codegen_flags: <defaults>
</compile_context>

<pallas_src>
import functools

import jax
import jax.numpy as jnp
from jax.experimental import pallas as pl
from jax.experimental.pallas import tpu as pltpu
from jax.experimental.pallas import tpu_sc as plsc

BATCH = 16384
NUM_CODES = 8192
CODE_DIM = 256
COMMIT_COST = 0.25

BM = 512
GATHER_W = 128


LANES = 128
NCHUNK = NUM_CODES // LANES


def _argmin_body(z_ref, cbt_ref, idx_ref, acc_ref, c2_ref):
    i = pl.program_id(0)

    @pl.when(i == 0)
    def _():
        cbt = cbt_ref[...]
        c2_ref[...] = jnp.sum(cbt * cbt, axis=0)

    z = z_ref[...]
    zneg = -2.0 * z
    z2 = jnp.sum(z * z, axis=1)

    prod_m2 = jax.lax.dot_general(
        zneg, cbt_ref[...],
        dimension_numbers=(((1,), (0,)), ((), ())),
        preferred_element_type=jnp.float32,
        precision=jax.lax.Precision.DEFAULT,
    )

    def dist(k):
        pk = prod_m2[:, k * LANES:(k + 1) * LANES]
        ck = c2_ref[pl.ds(k * LANES, LANES)]
        return (z2[:, None] + pk) + ck[None, :]

    d0 = dist(0)
    d1 = dist(1)
    w01 = d1 < d0
    run_m = jnp.minimum(d0, d1)
    run_k = jnp.where(w01, 1, 0)
    for k in range(2, NCHUNK, 2):
        da = dist(k)
        db = dist(k + 1)
        w = db < da
        e = jnp.minimum(da, db)
        kl = jnp.where(w, k + 1, k)
        hit = e < run_m
        run_k = jnp.where(hit, kl, run_k)
        run_m = jnp.minimum(e, run_m)

    m = jnp.min(run_m, axis=1)
    lane = jax.lax.broadcasted_iota(jnp.int32, (BM, LANES), 1)
    cand = run_k * LANES + lane
    idx = jnp.min(jnp.where(run_m == m[:, None], cand, NUM_CODES), axis=1)
    idx_ref[0, 0, :] = idx

    part = jnp.sum(m).reshape(1, 1)

    @pl.when(i == 0)
    def _():
        acc_ref[...] = jnp.zeros((1, 1), jnp.float32)

    acc_ref[...] += part


def _tc_argmin(z_e, cbt):
    rows = z_e.shape[0]
    nb = rows // BM
    idx3, acc = pl.pallas_call(
        _argmin_body,
        grid=(nb,),
        in_specs=[
            pl.BlockSpec((BM, CODE_DIM), lambda i: (i, 0)),
            pl.BlockSpec((CODE_DIM, NUM_CODES), lambda i: (0, 0)),
        ],
        out_specs=[
            pl.BlockSpec((1, 1, BM), lambda i: (i, 0, 0)),
            pl.BlockSpec((1, 1), lambda i: (0, 0)),
        ],
        out_shape=[
            jax.ShapeDtypeStruct((nb, 1, BM), jnp.int32),
            jax.ShapeDtypeStruct((1, 1), jnp.float32),
        ],
        scratch_shapes=[pltpu.VMEM((NUM_CODES,), jnp.float32)],
    )(z_e, cbt)
    return idx3.reshape(rows), acc[0, 0]


def _sc_gather(codebook, indices):
    rows = indices.shape[0]
    mesh = plsc.VectorSubcoreMesh(core_axis_name="core",
                                  subcore_axis_name="subcore")

    @functools.partial(
        pl.kernel,
        out_type=jax.ShapeDtypeStruct((rows, CODE_DIM), codebook.dtype),
        mesh=mesh,
    )
    def gather_kernel(cb_hbm, i_hbm, o_hbm):
        def body(i_vmem, o_vmem):
            pltpu.sync_copy(cb_hbm.at[i_vmem.at[0]], o_vmem)

        pltpu.emit_pipeline(
            body,
            grid=(rows // GATHER_W,),
            in_specs=[pl.BlockSpec((1, GATHER_W), index_map=lambda i: (0, i))],
            out_specs=[pl.BlockSpec((GATHER_W, CODE_DIM),
                                    index_map=lambda i: (i, 0))],
            core_axis_name=("core", "subcore"),
            dimension_semantics=(pltpu.PARALLEL,),
        )(i_hbm, o_hbm)

    return gather_kernel(codebook, indices.reshape(1, rows))


def kernel(z_e, codebook):
    cbt = codebook.T
    indices, loss_num = _tc_argmin(z_e, cbt)
    z_q = _sc_gather(codebook, indices)
    loss = (COMMIT_COST / (BATCH * CODE_DIM)) * loss_num
    return (z_q, indices, loss)

# --- scband reference (transcript-rebuilt; emitter-appended) ---
"""Pipeline reference for scband-vector-quantizer-34187939676277 (READ-ONLY COPY).

The authoritative reference and input builder live on the scoring server;
editing this copy changes nothing except your own understanding.
"""

import jax, jax.numpy as jnp
import numpy as np

NUM_CODES = 8192
CODE_DIM = 256
BATCH = 16384
COMMIT_COST = 0.25


def setup_inputs(seed: int = 0) -> dict:
    key = jax.random.key(seed)
    k1, k2 = jax.random.split(key)
    z_e = jax.random.normal(k1, (BATCH, CODE_DIM), dtype=jnp.float32)
    codebook = jax.random.normal(k2, (NUM_CODES, CODE_DIM), dtype=jnp.float32)
    return {"z_e": z_e, "codebook": codebook}


def reference(z_e, codebook):
    # distances[i, j] = ||z_e[i]||^2 - 2 z_e[i].codebook[j] + ||codebook[j]||^2
    distances = (
        jnp.sum(z_e ** 2, axis=1, keepdims=True)
        - 2.0 * (z_e @ codebook.T)
        + jnp.sum(codebook ** 2, axis=1, keepdims=True).T
    )
    indices = jnp.argmin(distances, axis=1)
    z_q = jnp.take(codebook, indices, axis=0)
    # eval mode: no EMA buffer updates
    commitment_loss = jnp.mean((z_e - jax.lax.stop_gradient(z_q)) ** 2)
    z_q_st = z_e + jax.lax.stop_gradient(z_q - z_e)
    return (z_q_st, indices, COMMIT_COST * commitment_loss)

if __name__ == "__main__":
    import jax
    _d = setup_inputs()
    print(jax.jit(kernel)(*tuple(_d.values())))

</pallas_src>

<mosaic_0001>
#map = affine_map<(d0, d1) -> (0, 0)>
module attributes {stable_mosaic.version = 14 : i64} {
  func.func @gather_kernel(%arg0: i32, %arg1: i32, %arg2: memref<8192x256xf32, #tpu.memory_space<hbm>>, %arg3: memref<1x16384xi32, #tpu.memory_space<hbm>>, %arg4: memref<16384x256xf32, #tpu.memory_space<hbm>>) attributes {dimension_semantics = [#tpu.dimension_semantics<core_parallel>, #tpu.dimension_semantics<subcore_parallel>], iteration_bounds = array<i64: 2, 16>, scalar_prefetch = 0 : i64, scratch_operands = 0 : i64, tpu.core_type = #tpu.core_type<sc_vector_subcore>, window_params = [{transform_indices = #map}, {transform_indices = #map}, {transform_indices = #map}]} {
    %mul3A = arith.constant 1 : i32
    %mul3A_0 = arith.muli %arg1, %mul3A : i32
    %add3A = arith.constant 0 : i32
    %add3A_1 = arith.addi %add3A, %mul3A_0 : i32
    %mul3A_2 = arith.constant 16 : i32
    %mul3A_3 = arith.muli %arg0, %mul3A_2 : i32
    %add3A_4 = arith.addi %add3A_1, %mul3A_3 : i32
    %mul3A_5 = arith.constant 4 : i32
    %mul3A_6 = arith.muli %add3A_4, %mul3A_5 : i32
    "tpu.region"() ({
      %run_scoped3A = memref.alloca() : memref<2x1x128xi32, #tpu.memory_space<vmem>>
      %run_scoped3A_7 = tpu.sem_alloc : memref<2x!tpu.dma_semaphore, #tpu.memory_space<semaphore_mem>>
      %run_scoped3A_8 = memref.alloca() : memref<2x128x256xf32, #tpu.memory_space<vmem>>
      %run_scoped3A_9 = tpu.sem_alloc : memref<2x!tpu.dma_semaphore, #tpu.memory_space<semaphore_mem>>
      %add3A_10 = arith.constant 0 : i32
      %add3A_11 = arith.addi %add3A_10, %mul3A_6 : i32
      %select_n3A = arith.constant true
      %select_n3A_12 = arith.constant 0 : i32
      %select_n3A_13 = arith.constant -1 : i32
      %select_n3A_14 = arith.select %select_n3A, %select_n3A_13, %select_n3A_12 : i32
      %eq3A = arith.constant -1 : i32
      %eq3A_15 = arith.cmpi eq, %select_n3A_14, %eq3A : i32
      %select_n3A_16 = arith.constant 3 : i32
      %select_n3A_17 = arith.select %eq3A_15, %select_n3A_16, %select_n3A_14 : i32
      %add3A_18 = arith.addi %select_n3A_17, %mul3A_6 : i32
      %select_n3A_19 = arith.constant true
      %select_n3A_20 = arith.constant 0 : i32
      %select_n3A_21 = arith.constant 1 : i32
      %select_n3A_22 = arith.select %select_n3A_19, %select_n3A_21, %select_n3A_20 : i32
      %eq3A_23 = arith.constant 4 : i32
      %eq3A_24 = arith.cmpi eq, %select_n3A_22, %eq3A_23 : i32
      %select_n3A_25 = arith.constant 0 : i32
      %select_n3A_26 = arith.select %eq3A_24, %select_n3A_25, %select_n3A_22 : i32
      %add3A_27 = arith.addi %select_n3A_26, %mul3A_6 : i32
      %add3A_28 = arith.constant 1 : i32
      %add3A_29 = arith.addi %select_n3A_26, %add3A_28 : i32
      %select_n3A_30 = arith.constant true
      %select_n3A_31 = arith.select %select_n3A_30, %add3A_29, %select_n3A_26 : i32
      %eq3A_32 = arith.constant 4 : i32
      %eq3A_33 = arith.cmpi eq, %select_n3A_31, %eq3A_32 : i32
      %select_n3A_34 = arith.constant 0 : i32
      %select_n3A_35 = arith.select %eq3A_33, %select_n3A_34, %select_n3A_31 : i32
      %add3A_36 = arith.addi %select_n3A_35, %mul3A_6 : i32
      "tpu.trace_start"() <{level = 10 : i32, message = "ep_initialize_0"}> : () -> ()
      %rem3A = arith.constant 0 : i32
      %rem3A_37 = arith.constant 2 : i32
      %rem3A_38 = arith.remui %rem3A, %rem3A_37 : i32
      %mul3A_39 = arith.constant 128 : i32
      %mul3A_40 = arith.muli %mul3A_39, %add3A_11 : i32
      %dma_start3A = arith.constant 0 : i32
      %dma_start3A_41 = arith.constant 0 : i32
      %dma_start3A_42 = tpu.memref_slice %run_scoped3A[%rem3A_38, %dma_start3A, %dma_start3A_41] : memref<2x1x128xi32, #tpu.memory_space<vmem>> -> memref<1x1x128xi32, #tpu.memory_space<vmem>>
      %dma_start3A_43 = tpu.memref_squeeze %dma_start3A_42 : memref<1x1x128xi32, #tpu.memory_space<vmem>> -> memref<1x128xi32, #tpu.memory_space<vmem>>
      %dma_start3A_44 = arith.constant 0 : i32
      %dma_start3A_45 = tpu.memref_slice %arg3[%dma_start3A_44, %mul3A_40] : memref<1x16384xi32, #tpu.memory_space<hbm>> -> memref<1x128xi32, #tpu.memory_space<hbm>>
      %dma_start3A_46 = tpu.memref_slice %run_scoped3A_7[%rem3A_38] : memref<2x!tpu.dma_semaphore, #tpu.memory_space<semaphore_mem>> -> memref<1x!tpu.dma_semaphore, #tpu.memory_space<semaphore_mem>>
      %dma_start3A_47 = tpu.memref_squeeze %dma_start3A_46 : memref<1x!tpu.dma_semaphore, #tpu.memory_space<semaphore_mem>> -> memref<!tpu.dma_semaphore, #tpu.memory_space<semaphore_mem>>
      %dma_start3A_48 = arith.constant 0 : i32
      %dma_start3A_49 = arith.constant 0 : i32
      %dma_start3A_50 = tpu.memref_slice %run_scoped3A[%rem3A_38, %dma_start3A_48, %dma_start3A_49] : memref<2x1x128xi32, #tpu.memory_space<vmem>> -> memref<1x1x128xi32, #tpu.memory_space<vmem>>
      %dma_start3A_51 = tpu.memref_squeeze %dma_start3A_50 : memref<1x1x128xi32, #tpu.memory_space<vmem>> -> memref<1x128xi32, #tpu.memory_space<vmem>>
      %dma_start3A_52 = arith.constant 0 : i32
      %dma_start3A_53 = tpu.memref_slice %arg3[%dma_start3A_52, %mul3A_40] : memref<1x16384xi32, #tpu.memory_space<hbm>> -> memref<1x128xi32, #tpu.memory_space<hbm>>
      tpu.enqueue_dma source(%dma_start3A_53 : memref<1x128xi32, #tpu.memory_space<hbm>>) target(%dma_start3A_51 : memref<1x128xi32, #tpu.memory_space<vmem>>) target_semaphore(%dma_start3A_47 : memref<!tpu.dma_semaphore, #tpu.memory_space<semaphore_mem>>)
      %add3A_54 = arith.constant 0 : i32
      %add3A_55 = arith.constant 1 : i32
      %add3A_56 = arith.addi %add3A_54, %add3A_55 : i32
      %select_n3A_57 = arith.constant true
      %select_n3A_58 = arith.constant 0 : i32
      %select_n3A_59 = arith.select %select_n3A_57, %add3A_56, %select_n3A_58 : i32
      "tpu.trace_stop"() : () -> ()
      %scan3A = arith.constant 0 : i32
      %scan3A_60 = arith.constant 0 : i32
      %scan3A_61 = arith.constant 0 : i32
      %scan3A_62 = arith.constant 0 : i32
      %scan3A_63 = arith.constant 0 : i32
      %scan3A_64 = arith.constant 4 : i32
      %scan3A_65 = arith.addi %scan3A_63, %scan3A_64 : i32
      %scan3A_66 = arith.constant 1 : i32
      %scan3A_67:5 = scf.for %scan3A_121 = %scan3A_63 to %scan3A_65 step %scan3A_66 iter_args(%scan3A_122 = %select_n3A_59, %scan3A_123 = %scan3A, %scan3A_124 = %scan3A_60, %scan3A_125 = %scan3A_61, %scan3A_126 = %scan3A_62) -> (i32, i32, i32, i32, i32)  : i32 {
        %eq3A_127 = arith.constant 0 : i32
        %eq3A_128 = arith.cmpi eq, %scan3A_121, %eq3A_127 : i32
        %eq3A_129 = arith.constant 3 : i32
        %eq3A_130 = arith.cmpi eq, %scan3A_121, %eq3A_129 : i32
        %add3A_131 = arith.addi %scan3A_126, %mul3A_6 : i32
        %sub3A_132 = arith.constant 1 : i32
        %sub3A_133 = arith.subi %scan3A_126, %sub3A_132 : i32
        %select_n3A_134 = arith.constant true
        %select_n3A_135 = arith.select %select_n3A_134, %sub3A_133, %scan3A_126 : i32
        %eq3A_136 = arith.constant -1 : i32
        %eq3A_137 = arith.cmpi eq, %select_n3A_135, %eq3A_136 : i32
        %select_n3A_138 = arith.constant 3 : i32
        %select_n3A_139 = arith.select %eq3A_137, %select_n3A_138, %select_n3A_135 : i32
        %add3A_140 = arith.addi %select_n3A_139, %mul3A_6 : i32
        %add3A_141 = arith.constant 1 : i32
        %add3A_142 = arith.addi %scan3A_126, %add3A_141 : i32
        %select_n3A_143 = arith.constant true
        %select_n3A_144 = arith.select %select_n3A_143, %add3A_142, %scan3A_126 : i32
        %eq3A_145 = arith.constant 4 : i32
        %eq3A_146 = arith.cmpi eq, %select_n3A_144, %eq3A_145 : i32
        %select_n3A_147 = arith.constant 0 : i32
        %select_n3A_148 = arith.select %eq3A_146, %select_n3A_147, %select_n3A_144 : i32
        %add3A_149 = arith.addi %select_n3A_148, %mul3A_6 : i32
        %add3A_150 = arith.constant 1 : i32
        %add3A_151 = arith.addi %select_n3A_148, %add3A_150 : i32
        %select_n3A_152 = arith.constant true
        %select_n3A_153 = arith.select %select_n3A_152, %add3A_151, %select_n3A_148 : i32
        %eq3A_154 = arith.constant 4 : i32
        %eq3A_155 = arith.cmpi eq, %select_n3A_153, %eq3A_154 : i32
        %select_n3A_156 = arith.constant 0 : i32
        %select_n3A_157 = arith.select %eq3A_155, %select_n3A_156, %select_n3A_153 : i32
        %add3A_158 = arith.addi %select_n3A_157, %mul3A_6 : i32
        %ne3A = arith.cmpi ne, %add3A_131, %add3A_149 : i32
        %or3A = arith.constant false
        %or3A_159 = arith.ori %or3A, %ne3A : i1
        %ge3A = arith.constant 3 : i32
        %ge3A_160 = arith.cmpi sge, %scan3A_121, %ge3A : i32
        %not3A = arith.constant true
        %not3A_161 = arith.xori %ge3A_160, %not3A : i1
        %and3A = arith.andi %or3A_159, %not3A_161 : i1
        %convert_element_type3A = arith.extui %and3A : i1 to i32
        %cond3A = arith.constant 0 : i32
        %cond3A_162 = arith.cmpi ne, %convert_element_type3A, %cond3A : i32
        scf.if %cond3A_162 {
          "tpu.trace_start"() <{level = 10 : i32, message = "ep_copy_in"}> : () -> ()
          %rem3A_264 = arith.constant 2 : i32
          %rem3A_265 = arith.remui %scan3A_122, %rem3A_264 : i32
          %mul3A_266 = arith.constant 128 : i32
          %mul3A_267 = arith.muli %mul3A_266, %add3A_149 : i32
          %dma_start3A_268 = arith.constant 0 : i32
          %dma_start3A_269 = arith.constant 0 : i32
          %dma_start3A_270 = tpu.memref_slice %run_scoped3A[%rem3A_265, %dma_start3A_268, %dma_start3A_269] : memref<2x1x128xi32, #tpu.memory_space<vmem>> -> memref<1x1x128xi32, #tpu.memory_space<vmem>>
          %dma_start3A_271 = tpu.memref_squeeze %dma_start3A_270 : memref<1x1x128xi32, #tpu.memory_space<vmem>> -> memref<1x128xi32, #tpu.memory_space<vmem>>
          %dma_start3A_272 = arith.constant 0 : i32
          %dma_start3A_273 = tpu.memref_slice %arg3[%dma_start3A_272, %mul3A_267] : memref<1x16384xi32, #tpu.memory_space<hbm>> -> memref<1x128xi32, #tpu.memory_space<hbm>>
          %dma_start3A_274 = tpu.memref_slice %run_scoped3A_7[%rem3A_265] : memref<2x!tpu.dma_semaphore, #tpu.memory_space<semaphore_mem>> -> memref<1x!tpu.dma_semaphore, #tpu.memory_space<semaphore_mem>>
          %dma_start3A_275 = tpu.memref_squeeze %dma_start3A_274 : memref<1x!tpu.dma_semaphore, #tpu.memory_space<semaphore_mem>> -> memref<!tpu.dma_semaphore, #tpu.memory_space<semaphore_mem>>
          %dma_start3A_276 = arith.constant 0 : i32
          %dma_start3A_277 = arith.constant 0 : i32
          %dma_start3A_278 = tpu.memref_slice %run_scoped3A[%rem3A_265, %dma_start3A_276, %dma_start3A_277] : memref<2x1x128xi32, #tpu.memory_space<vmem>> -> memref<1x1x128xi32, #tpu.memory_space<vmem>>
          %dma_start3A_279 = tpu.memref_squeeze %dma_start3A_278 : memref<1x1x128xi32, #tpu.memory_space<vmem>> -> memref<1x128xi32, #tpu.memory_space<vmem>>
          %dma_start3A_280 = arith.constant 0 : i32
          %dma_start3A_281 = tpu.memref_slice %arg3[%dma_start3A_280, %mul3A_267] : memref<1x16384xi32, #tpu.memory_space<hbm>> -> memref<1x128xi32, #tpu.memory_space<hbm>>
          tpu.enqueue_dma source(%dma_start3A_281 : memref<1x128xi32, #tpu.memory_space<hbm>>) target(%dma_start3A_279 : memref<1x128xi32, #tpu.memory_space<vmem>>) target_semaphore(%dma_start3A_275 : memref<!tpu.dma_semaphore, #tpu.memory_space<semaphore_mem>>)
          "tpu.trace_stop"() : () -> ()
        } else {
        }
        %and3A_163 = arith.constant true
        %and3A_164 = arith.andi %and3A, %and3A_163 : i1
        %add3A_165 = arith.constant 1 : i32
        %add3A_166 = arith.addi %scan3A_122, %add3A_165 : i32
        %select_n3A_167 = arith.select %and3A_164, %add3A_166, %scan3A_122 : i32
        %ne3A_168 = arith.cmpi ne, %add3A_131, %add3A_149 : i32
        %or3A_169 = arith.constant false
        %or3A_170 = arith.ori %or3A_169, %ne3A_168 : i1
        %or3A_171 = arith.constant false
        %or3A_172 = arith.ori %or3A_170, %or3A_171 : i1
        %ge3A_173 = arith.constant 3 : i32
        %ge3A_174 = arith.cmpi sge, %scan3A_121, %ge3A_173 : i32
        %not3A_175 = arith.constant true
        %not3A_176 = arith.xori %ge3A_174, %not3A_175 : i1
        %and3A_177 = arith.andi %or3A_172, %not3A_176 : i1
        %ne3A_178 = arith.cmpi ne, %add3A_131, %add3A_140 : i32
        %or3A_179 = arith.constant false
        %or3A_180 = arith.ori %or3A_179, %ne3A_178 : i1
        %or3A_181 = arith.ori %or3A_180, %eq3A_128 : i1
        %convert_element_type3A_182 = arith.extui %or3A_181 : i1 to i32
        %cond3A_183 = arith.constant 0 : i32
        %cond3A_184 = arith.cmpi ne, %convert_element_type3A_182, %cond3A_183 : i32
        scf.if %cond3A_184 {
          "tpu.trace_start"() <{level = 10 : i32, message = "ep_wait_in"}> : () -> ()
          %mul3A_264 = arith.constant 128 : i32
          %mul3A_265 = arith.muli %mul3A_264, %add3A_131 : i32
          %rem3A_266 = arith.constant 2 : i32
          %rem3A_267 = arith.remui %scan3A_123, %rem3A_266 : i32
          %dma_wait3A_268 = arith.constant 0 : i32
          %dma_wait3A_269 = arith.constant 0 : i32
          %dma_wait3A_270 = tpu.memref_slice %run_scoped3A[%rem3A_267, %dma_wait3A_268, %dma_wait3A_269] : memref<2x1x128xi32, #tpu.memory_space<vmem>> -> memref<1x1x128xi32, #tpu.memory_space<vmem>>
          %dma_wait3A_271 = tpu.memref_squeeze %dma_wait3A_270 : memref<1x1x128xi32, #tpu.memory_space<vmem>> -> memref<1x128xi32, #tpu.memory_space<vmem>>
          %dma_wait3A_272 = arith.constant 0 : i32
          %dma_wait3A_273 = tpu.memref_slice %arg3[%dma_wait3A_272, %mul3A_265] : memref<1x16384xi32, #tpu.memory_space<hbm>> -> memref<1x128xi32, #tpu.memory_space<hbm>>
          %dma_wait3A_274 = tpu.memref_slice %run_scoped3A_7[%rem3A_267] : memref<2x!tpu.dma_semaphore, #tpu.memory_space<semaphore_mem>> -> memref<1x!tpu.dma_semaphore, #tpu.memory_space<semaphore_mem>>
          %dma_wait3A_275 = tpu.memref_squeeze %dma_wait3A_274 : memref<1x!tpu.dma_semaphore, #tpu.memory_space<semaphore_mem>> -> memref<!tpu.dma_semaphore, #tpu.memory_space<semaphore_mem>>
          %dma_wait3A_276 = arith.constant 0 : i32
          %dma_wait3A_277 = arith.constant 0 : i32
          %dma_wait3A_278 = tpu.memref_slice %run_scoped3A[%rem3A_267, %dma_wait3A_276, %dma_wait3A_277] : memref<2x1x128xi32, #tpu.memory_space<vmem>> -> memref<1x1x128xi32, #tpu.memory_space<vmem>>
          %dma_wait3A_279 = tpu.memref_squeeze %dma_wait3A_278 : memref<1x1x128xi32, #tpu.memory_space<vmem>> -> memref<1x128xi32, #tpu.memory_space<vmem>>
          %dma_wait3A_280 = arith.constant 0 : i32
          %dma_wait3A_281 = tpu.memref_slice %arg3[%dma_wait3A_280, %mul3A_265] : memref<1x16384xi32, #tpu.memory_space<hbm>> -> memref<1x128xi32, #tpu.memory_space<hbm>>
          tpu.wait_dma2 semaphore(%dma_wait3A_275 : memref<!tpu.dma_semaphore, #tpu.memory_space<semaphore_mem>>) src(%dma_wait3A_281 : memref<1x128xi32, #tpu.memory_space<hbm>>) dst(%dma_wait3A_279 : memref<1x128xi32, #tpu.memory_space<vmem>>)
          "tpu.trace_stop"() : () -> ()
        } else {
        }
        %ne3A_185 = arith.cmpi ne, %add3A_131, %add3A_140 : i32
        %or3A_186 = arith.constant false
        %or3A_187 = arith.ori %or3A_186, %ne3A_185 : i1
        %or3A_188 = arith.constant false
        %or3A_189 = arith.ori %or3A_187, %or3A_188 : i1
        %or3A_190 = arith.ori %or3A_189, %eq3A_128 : i1
        %convert_element_type3A_191 = arith.extui %or3A_190 : i1 to i32
        %cond3A_192 = arith.constant 0 : i32
        %cond3A_193 = arith.cmpi ne, %convert_element_type3A_191, %cond3A_192 : i32
        scf.if %cond3A_193 {
        } else {
        }
        %rem3A_194 = arith.constant 2 : i32
        %rem3A_195 = arith.remui %scan3A_123, %rem3A_194 : i32
        %rem3A_196 = arith.constant 2 : i32
        %rem3A_197 = arith.remui %scan3A_124, %rem3A_196 : i32
        %run_scoped3A_198 = arith.constant 0 : i32
        "tpu.trace_start"() <{level = 10 : i32, message = "ep_run_kernel"}> : () -> ()
        "tpu.region"() ({
          %run_scoped3A_264 = tpu.sem_alloc : memref<!tpu.dma_semaphore, #tpu.memory_space<semaphore_mem>>
          %dma_start3A_265 = arith.constant 0 : i32
          %dma_start3A_266 = arith.constant 0 : i32
          %dma_start3A_267 = tpu.memref_slice %run_scoped3A_8[%rem3A_197, %dma_start3A_265, %dma_start3A_266] : memref<2x128x256xf32, #tpu.memory_space<vmem>> -> memref<1x128x256xf32, #tpu.memory_space<vmem>>
          %dma_start3A_268 = tpu.memref_squeeze %dma_start3A_267 : memref<1x128x256xf32, #tpu.memory_space<vmem>> -> memref<128x256xf32, #tpu.memory_space<vmem>>
          %dma_start3A_269 = arith.constant 0 : i32
          %dma_start3A_270 = arith.constant 0 : i32
          %dma_start3A_271 = tpu.memref_slice %run_scoped3A[%rem3A_195, %dma_start3A_269, %dma_start3A_270] : memref<2x1x128xi32, #tpu.memory_space<vmem>> -> memref<1x1x128xi32, #tpu.memory_space<vmem>>
          %dma_start3A_272 = tpu.memref_squeeze %dma_start3A_271 : memref<1x1x128xi32, #tpu.memory_space<vmem>> -> memref<1x128xi32, #tpu.memory_space<vmem>>
          %dma_start3A_273 = arith.constant 0 : i32
          %dma_start3A_274 = tpu.memref_slice %dma_start3A_272[%run_scoped3A_198, %dma_start3A_273] : memref<1x128xi32, #tpu.memory_space<vmem>> -> memref<1x128xi32, #tpu.memory_space<vmem>>
          %dma_start3A_275 = tpu.memref_squeeze %dma_start3A_274 : memref<1x128xi32, #tpu.memory_space<vmem>> -> memref<128xi32, #tpu.memory_space<vmem>>
          %dma_start3A_276 = arith.constant 0 : i32
          %dma_start3A_277 = arith.constant 0 : i32
          %dma_start3A_278 = tpu.memref_slice %arg2[%dma_start3A_276, %dma_start3A_277] : memref<8192x256xf32, #tpu.memory_space<hbm>> -> memref<8192x256xf32, #tpu.memory_space<hbm>>
          tpu.enqueue_indirect_dma source(%dma_start3A_278 : memref<8192x256xf32, #tpu.memory_space<hbm>>) target(%dma_start3A_268 : memref<128x256xf32, #tpu.memory_space<vmem>>) offsets(%dma_start3A_275 : memref<128xi32, #tpu.memory_space<vmem>>) semaphore(%run_scoped3A_264 : memref<!tpu.dma_semaphore, #tpu.memory_space<semaphore_mem>>)
          %dma_wait3A_279 = arith.constant 0 : i32
          %dma_wait3A_280 = arith.constant 0 : i32
          %dma_wait3A_281 = tpu.memref_slice %run_scoped3A_8[%rem3A_197, %dma_wait3A_279, %dma_wait3A_280] : memref<2x128x256xf32, #tpu.memory_space<vmem>> -> memref<1x128x256xf32, #tpu.memory_space<vmem>>
          %dma_wait3A_282 = tpu.memref_squeeze %dma_wait3A_281 : memref<1x128x256xf32, #tpu.memory_space<vmem>> -> memref<128x256xf32, #tpu.memory_space<vmem>>
          %dma_wait3A_283 = arith.constant 0 : i32
          %dma_wait3A_284 = arith.constant 0 : i32
          %dma_wait3A_285 = tpu.memref_slice %run_scoped3A[%rem3A_195, %dma_wait3A_283, %dma_wait3A_284] : memref<2x1x128xi32, #tpu.memory_space<vmem>> -> memref<1x1x128xi32, #tpu.memory_space<vmem>>
          %dma_wait3A_286 = tpu.memref_squeeze %dma_wait3A_285 : memref<1x1x128xi32, #tpu.memory_space<vmem>> -> memref<1x128xi32, #tpu.memory_space<vmem>>
          %dma_wait3A_287 = arith.constant 0 : i32
          %dma_wait3A_288 = tpu.memref_slice %dma_wait3A_286[%run_scoped3A_198, %dma_wait3A_287] : memref<1x128xi32, #tpu.memory_space<vmem>> -> memref<1x128xi32, #tpu.memory_space<vmem>>
          %dma_wait3A_289 = tpu.memref_squeeze %dma_wait3A_288 : memref<1x128xi32, #tpu.memory_space<vmem>> -> memref<128xi32, #tpu.memory_space<vmem>>
          %dma_wait3A_290 = arith.constant 0 : i32
          %dma_wait3A_291 = arith.constant 0 : i32
          %dma_wait3A_292 = tpu.memref_slice %arg2[%dma_wait3A_290, %dma_wait3A_291] : memref<8192x256xf32, #tpu.memory_space<hbm>> -> memref<8192x256xf32, #tpu.memory_space<hbm>>
          tpu.wait_indirect_dma semaphore(%run_scoped3A_264 : memref<!tpu.dma_semaphore, #tpu.memory_space<semaphore_mem>>) src(%dma_wait3A_292 : memref<8192x256xf32, #tpu.memory_space<hbm>>) dst(%dma_wait3A_282 : memref<128x256xf32, #tpu.memory_space<vmem>>)
          tpu.yield
        }) : () -> ()
        "tpu.trace_stop"() : () -> ()
        %ne3A_199 = arith.cmpi ne, %add3A_131, %add3A_149 : i32
        %or3A_200 = arith.constant false
        %or3A_201 = arith.ori %or3A_200, %ne3A_199 : i1
        %or3A_202 = arith.ori %or3A_201, %eq3A_130 : i1
        %convert_element_type3A_203 = arith.extui %or3A_202 : i1 to i32
        %cond3A_204 = arith.constant 0 : i32
        %cond3A_205 = arith.cmpi ne, %convert_element_type3A_203, %cond3A_204 : i32
        scf.if %cond3A_205 {
        } else {
        }
        %and3A_206 = arith.constant false
        %and3A_207 = arith.andi %or3A_202, %and3A_206 : i1
        %ne3A_208 = arith.cmpi ne, %add3A_131, %add3A_149 : i32
        %or3A_209 = arith.constant false
        %or3A_210 = arith.ori %or3A_209, %ne3A_208 : i1
        %or3A_211 = arith.constant false
        %or3A_212 = arith.ori %or3A_210, %or3A_211 : i1
        %or3A_213 = arith.ori %or3A_212, %eq3A_130 : i1
        %convert_element_type3A_214 = arith.extui %or3A_213 : i1 to i32
        %cond3A_215 = arith.constant 0 : i32
        %cond3A_216 = arith.cmpi ne, %convert_element_type3A_214, %cond3A_215 : i32
        scf.if %cond3A_216 {
          "tpu.trace_start"() <{level = 10 : i32, message = "ep_copy_out"}> : () -> ()
          %rem3A_264 = arith.constant 2 : i32
          %rem3A_265 = arith.remui %scan3A_124, %rem3A_264 : i32
          %mul3A_266 = arith.constant 128 : i32
          %mul3A_267 = arith.muli %mul3A_266, %add3A_131 : i32
          %dma_start3A_268 = arith.constant 0 : i32
          %dma_start3A_269 = arith.constant 0 : i32
          %dma_start3A_270 = tpu.memref_slice %run_scoped3A_8[%rem3A_265, %dma_start3A_268, %dma_start3A_269] : memref<2x128x256xf32, #tpu.memory_space<vmem>> -> memref<1x128x256xf32, #tpu.memory_space<vmem>>
          %dma_start3A_271 = tpu.memref_squeeze %dma_start3A_270 : memref<1x128x256xf32, #tpu.memory_space<vmem>> -> memref<128x256xf32, #tpu.memory_space<vmem>>
          %dma_start3A_272 = arith.constant 0 : i32
          %dma_start3A_273 = tpu.memref_slice %arg4[%mul3A_267, %dma_start3A_272] : memref<16384x256xf32, #tpu.memory_space<hbm>> -> memref<128x256xf32, #tpu.memory_space<hbm>>
          %dma_start3A_274 = tpu.memref_slice %run_scoped3A_9[%rem3A_265] : memref<2x!tpu.dma_semaphore, #tpu.memory_space<semaphore_mem>> -> memref<1x!tpu.dma_semaphore, #tpu.memory_space<semaphore_mem>>
          %dma_start3A_275 = tpu.memref_squeeze %dma_start3A_274 : memref<1x!tpu.dma_semaphore, #tpu.memory_space<semaphore_mem>> -> memref<!tpu.dma_semaphore, #tpu.memory_space<semaphore_mem>>
          %dma_start3A_276 = arith.constant 0 : i32
          %dma_start3A_277 = tpu.memref_slice %arg4[%mul3A_267, %dma_start3A_276] : memref<16384x256xf32, #tpu.memory_space<hbm>> -> memref<128x256xf32, #tpu.memory_space<hbm>>
          %dma_start3A_278 = arith.constant 0 : i32
          %dma_start3A_279 = arith.constant 0 : i32
          %dma_start3A_280 = tpu.memref_slice %run_scoped3A_8[%rem3A_265, %dma_start3A_278, %dma_start3A_279] : memref<2x128x256xf32, #tpu.memory_space<vmem>> -> memref<1x128x256xf32, #tpu.memory_space<vmem>>
          %dma_start3A_281 = tpu.memref_squeeze %dma_start3A_280 : memref<1x128x256xf32, #tpu.memory_space<vmem>> -> memref<128x256xf32, #tpu.memory_space<vmem>>
          tpu.enqueue_dma source(%dma_start3A_281 : memref<128x256xf32, #tpu.memory_space<vmem>>) target(%dma_start3A_277 : memref<128x256xf32, #tpu.memory_space<hbm>>) target_semaphore(%dma_start3A_275 : memref<!tpu.dma_semaphore, #tpu.memory_space<semaphore_mem>>)
          "tpu.trace_stop"() : () -> ()
        } else {
        }
        %and3A_217 = arith.constant true
        %and3A_218 = arith.andi %or3A_213, %and3A_217 : i1
        %add3A_219 = arith.constant 1 : i32
        %add3A_220 = arith.addi %scan3A_124, %add3A_219 : i32
        %select_n3A_221 = arith.select %and3A_218, %add3A_220, %scan3A_124 : i32
        %ne3A_222 = arith.cmpi ne, %add3A_131, %add3A_140 : i32
        %or3A_223 = arith.constant false
        %or3A_224 = arith.ori %or3A_223, %ne3A_222 : i1
        %not3A_225 = arith.constant true
        %not3A_226 = arith.xori %eq3A_128, %not3A_225 : i1
        %and3A_227 = arith.andi %or3A_224, %not3A_226 : i1
        %convert_element_type3A_228 = arith.extui %and3A_227 : i1 to i32
        %cond3A_229 = arith.constant 0 : i32
        %cond3A_230 = arith.cmpi ne, %convert_element_type3A_228, %cond3A_229 : i32
        scf.if %cond3A_230 {
        } else {
        }
        %and3A_231 = arith.constant false
        %and3A_232 = arith.andi %and3A_227, %and3A_231 : i1
        %ne3A_233 = arith.cmpi ne, %add3A_131, %add3A_140 : i32
        %or3A_234 = arith.constant false
        %or3A_235 = arith.ori %or3A_234, %ne3A_233 : i1
        %or3A_236 = arith.constant false
        %or3A_237 = arith.ori %or3A_235, %or3A_236 : i1
        %not3A_238 = arith.constant true
        %not3A_239 = arith.xori %eq3A_128, %not3A_238 : i1
        %and3A_240 = arith.andi %or3A_237, %not3A_239 : i1
        %convert_element_type3A_241 = arith.extui %and3A_240 : i1 to i32
        %cond3A_242 = arith.constant 0 : i32
        %cond3A_243 = arith.cmpi ne, %convert_element_type3A_241, %cond3A_242 : i32
        scf.if %cond3A_243 {
          "tpu.trace_start"() <{level = 10 : i32, message = "ep_wait_out"}> : () -> ()
          %rem3A_264 = arith.constant 2 : i32
          %rem3A_265 = arith.remui %scan3A_125, %rem3A_264 : i32
          %mul3A_266 = arith.constant 128 : i32
          %mul3A_267 = arith.muli %mul3A_266, %add3A_140 : i32
          %dma_wait3A_268 = arith.constant 0 : i32
          %dma_wait3A_269 = arith.constant 0 : i32
          %dma_wait3A_270 = tpu.memref_slice %run_scoped3A_8[%rem3A_265, %dma_wait3A_268, %dma_wait3A_269] : memref<2x128x256xf32, #tpu.memory_space<vmem>> -> memref<1x128x256xf32, #tpu.memory_space<vmem>>
          %dma_wait3A_271 = tpu.memref_squeeze %dma_wait3A_270 : memref<1x128x256xf32, #tpu.memory_space<vmem>> -> memref<128x256xf32, #tpu.memory_space<vmem>>
          %dma_wait3A_272 = arith.constant 0 : i32
          %dma_wait3A_273 = tpu.memref_slice %arg4[%mul3A_267, %dma_wait3A_272] : memref<16384x256xf32, #tpu.memory_space<hbm>> -> memref<128x256xf32, #tpu.memory_space<hbm>>
          %dma_wait3A_274 = tpu.memref_slice %run_scoped3A_9[%rem3A_265] : memref<2x!tpu.dma_semaphore, #tpu.memory_space<semaphore_mem>> -> memref<1x!tpu.dma_semaphore, #tpu.memory_space<semaphore_mem>>
          %dma_wait3A_275 = tpu.memref_squeeze %dma_wait3A_274 : memref<1x!tpu.dma_semaphore, #tpu.memory_space<semaphore_mem>> -> memref<!tpu.dma_semaphore, #tpu.memory_space<semaphore_mem>>
          %dma_wait3A_276 = arith.constant 0 : i32
          %dma_wait3A_277 = tpu.memref_slice %arg4[%mul3A_267, %dma_wait3A_276] : memref<16384x256xf32, #tpu.memory_space<hbm>> -> memref<128x256xf32, #tpu.memory_space<hbm>>
          %dma_wait3A_278 = arith.constant 0 : i32
          %dma_wait3A_279 = arith.constant 0 : i32
          %dma_wait3A_280 = tpu.memref_slice %run_scoped3A_8[%rem3A_265, %dma_wait3A_278, %dma_wait3A_279] : memref<2x128x256xf32, #tpu.memory_space<vmem>> -> memref<1x128x256xf32, #tpu.memory_space<vmem>>
          %dma_wait3A_281 = tpu.memref_squeeze %dma_wait3A_280 : memref<1x128x256xf32, #tpu.memory_space<vmem>> -> memref<128x256xf32, #tpu.memory_space<vmem>>
          tpu.wait_dma2 semaphore(%dma_wait3A_275 : memref<!tpu.dma_semaphore, #tpu.memory_space<semaphore_mem>>) src(%dma_wait3A_281 : memref<128x256xf32, #tpu.memory_space<vmem>>) dst(%dma_wait3A_277 : memref<128x256xf32, #tpu.memory_space<hbm>>)
          "tpu.trace_stop"() : () -> ()
        } else {
        }
        %and3A_244 = arith.constant true
        %and3A_245 = arith.andi %and3A_240, %and3A_244 : i1
        %add3A_246 = arith.constant 1 : i32
        %add3A_247 = arith.addi %scan3A_125, %add3A_246 : i32
        %select_n3A_248 = arith.select %and3A_245, %add3A_247, %scan3A_125 : i32
        %ne3A_249 = arith.cmpi ne, %add3A_131, %add3A_149 : i32
        %or3A_250 = arith.constant false
        %or3A_251 = arith.ori %or3A_250, %ne3A_249 : i1
        %or3A_252 = arith.ori %or3A_251, %eq3A_130 : i1
        %add3A_253 = arith.constant 1 : i32
        %add3A_254 = arith.addi %scan3A_123, %add3A_253 : i32
        %select_n3A_255 = arith.select %or3A_252, %add3A_254, %scan3A_123 : i32
        %add3A_256 = arith.constant 1 : i32
        %add3A_257 = arith.addi %scan3A_126, %add3A_256 : i32
        %select_n3A_258 = arith.constant true
        %select_n3A_259 = arith.select %select_n3A_258, %add3A_257, %scan3A_126 : i32
        %eq3A_260 = arith.constant 4 : i32
        %eq3A_261 = arith.cmpi eq, %select_n3A_259, %eq3A_260 : i32
        %select_n3A_262 = arith.constant 0 : i32
        %select_n3A_263 = arith.select %eq3A_261, %select_n3A_262, %select_n3A_259 : i32
        scf.yield %select_n3A_167, %select_n3A_255, %select_n3A_221, %select_n3A_248, %select_n3A_263 : i32, i32, i32, i32, i32
      }
      %scan3A_68 = arith.constant 4 : i32
      %sub3A = arith.constant 1 : i32
      %sub3A_69 = arith.subi %scan3A_67#4, %sub3A : i32
      %select_n3A_70 = arith.constant true
      %select_n3A_71 = arith.select %select_n3A_70, %sub3A_69, %scan3A_67#4 : i32
      %eq3A_72 = arith.constant -1 : i32
      %eq3A_73 = arith.cmpi eq, %select_n3A_71, %eq3A_72 : i32
      %select_n3A_74 = arith.constant 3 : i32
      %select_n3A_75 = arith.select %eq3A_73, %select_n3A_74, %select_n3A_71 : i32
      %add3A_76 = arith.addi %select_n3A_75, %mul3A_6 : i32
      %sub3A_77 = arith.constant 1 : i32
      %sub3A_78 = arith.subi %select_n3A_75, %sub3A_77 : i32
      %select_n3A_79 = arith.constant true
      %select_n3A_80 = arith.select %select_n3A_79, %sub3A_78, %select_n3A_75 : i32
      %eq3A_81 = arith.constant -1 : i32
      %eq3A_82 = arith.cmpi eq, %select_n3A_80, %eq3A_81 : i32
      %select_n3A_83 = arith.constant 3 : i32
      %select_n3A_84 = arith.select %eq3A_82, %select_n3A_83, %select_n3A_80 : i32
      %add3A_85 = arith.addi %select_n3A_84, %mul3A_6 : i32
      %add3A_86 = arith.constant 1 : i32
      %add3A_87 = arith.addi %select_n3A_75, %add3A_86 : i32
      %select_n3A_88 = arith.constant true
      %select_n3A_89 = arith.select %select_n3A_88, %add3A_87, %select_n3A_75 : i32
      %eq3A_90 = arith.constant 4 : i32
      %eq3A_91 = arith.cmpi eq, %select_n3A_89, %eq3A_90 : i32
      %select_n3A_92 = arith.constant 0 : i32
      %select_n3A_93 = arith.select %eq3A_91, %select_n3A_92, %select_n3A_89 : i32
      %add3A_94 = arith.addi %select_n3A_93, %mul3A_6 : i32
      %add3A_95 = arith.constant 1 : i32
      %add3A_96 = arith.addi %select_n3A_93, %add3A_95 : i32
      %select_n3A_97 = arith.constant true
      %select_n3A_98 = arith.select %select_n3A_97, %add3A_96, %select_n3A_93 : i32
      %eq3A_99 = arith.constant 4 : i32
      %eq3A_100 = arith.cmpi eq, %select_n3A_98, %eq3A_99 : i32
      %select_n3A_101 = arith.constant 0 : i32
      %select_n3A_102 = arith.select %eq3A_100, %select_n3A_101, %select_n3A_98 : i32
      %add3A_103 = arith.addi %select_n3A_102, %mul3A_6 : i32
      "tpu.trace_start"() <{level = 10 : i32, message = "ep_finalize"}> : () -> ()
      %rem3A_104 = arith.constant 2 : i32
      %rem3A_105 = arith.remui %scan3A_67#3, %rem3A_104 : i32
      %mul3A_106 = arith.constant 128 : i32
      %mul3A_107 = arith.muli %mul3A_106, %add3A_76 : i32
      %dma_wait3A = arith.constant 0 : i32
      %dma_wait3A_108 = arith.constant 0 : i32
      %dma_wait3A_109 = tpu.memref_slice %run_scoped3A_8[%rem3A_105, %dma_wait3A, %dma_wait3A_108] : memref<2x128x256xf32, #tpu.memory_space<vmem>> -> memref<1x128x256xf32, #tpu.memory_space<vmem>>
      %dma_wait3A_110 = tpu.memref_squeeze %dma_wait3A_109 : memref<1x128x256xf32, #tpu.memory_space<vmem>> -> memref<128x256xf32, #tpu.memory_space<vmem>>
      %dma_wait3A_111 = arith.constant 0 : i32
      %dma_wait3A_112 = tpu.memref_slice %arg4[%mul3A_107, %dma_wait3A_111] : memref<16384x256xf32, #tpu.memory_space<hbm>> -> memref<128x256xf32, #tpu.memory_space<hbm>>
      %dma_wait3A_113 = tpu.memref_slice %run_scoped3A_9[%rem3A_105] : memref<2x!tpu.dma_semaphore, #tpu.memory_space<semaphore_mem>> -> memref<1x!tpu.dma_semaphore, #tpu.memory_space<semaphore_mem>>
      %dma_wait3A_114 = tpu.memref_squeeze %dma_wait3A_113 : memref<1x!tpu.dma_semaphore, #tpu.memory_space<semaphore_mem>> -> memref<!tpu.dma_semaphore, #tpu.memory_space<semaphore_mem>>
      %dma_wait3A_115 = arith.constant 0 : i32
      %dma_wait3A_116 = tpu.memref_slice %arg4[%mul3A_107, %dma_wait3A_115] : memref<16384x256xf32, #tpu.memory_space<hbm>> -> memref<128x256xf32, #tpu.memory_space<hbm>>
      %dma_wait3A_117 = arith.constant 0 : i32
      %dma_wait3A_118 = arith.constant 0 : i32
      %dma_wait3A_119 = tpu.memref_slice %run_scoped3A_8[%rem3A_105, %dma_wait3A_117, %dma_wait3A_118] : memref<2x128x256xf32, #tpu.memory_space<vmem>> -> memref<1x128x256xf32, #tpu.memory_space<vmem>>
      %dma_wait3A_120 = tpu.memref_squeeze %dma_wait3A_119 : memref<1x128x256xf32, #tpu.memory_space<vmem>> -> memref<128x256xf32, #tpu.memory_space<vmem>>
      tpu.wait_dma2 semaphore(%dma_wait3A_114 : memref<!tpu.dma_semaphore, #tpu.memory_space<semaphore_mem>>) src(%dma_wait3A_120 : memref<128x256xf32, #tpu.memory_space<vmem>>) dst(%dma_wait3A_116 : memref<128x256xf32, #tpu.memory_space<hbm>>)
      "tpu.trace_stop"() : () -> ()
      tpu.yield
    }) : () -> ()
    return
  }
}

module attributes {stable_mosaic.version = 14 : i64} {
  func.func @_argmin_body(%arg0: i32, %arg1: memref<512x256xf32, #tpu.memory_space<vmem>>, %arg2: memref<256x8192xf32, #tpu.memory_space<vmem>>, %arg3: memref<1x1x512xi32, #tpu.memory_space<vmem>>, %arg4: memref<1x1xf32, #tpu.memory_space<vmem>>, %arg5: memref<8192xf32, #tpu.memory_space<vmem>>) attributes {dimension_semantics = [#tpu.dimension_semantics<arbitrary>], iteration_bounds = array<i64: 32>, scalar_prefetch = 0 : i64, scratch_operands = 1 : i64, tpu.core_type = #tpu.core_type<tc>, window_params = [{transform_indices = @transform_0, window_bounds = array<i64: 512, 256>}, {pipeline_mode = #tpu.pipeline_mode<synchronous>, transform_indices = @transform_1, window_bounds = array<i64: 256, 8192>}, {transform_indices = @transform_2, window_bounds = array<i64: 1, 1, 512>}, {pipeline_mode = #tpu.pipeline_mode<synchronous>, transform_indices = @transform_3, window_bounds = array<i64: 1, 1>}]} {
    %eq3A = arith.constant 0 : i32
    %eq3A_0 = arith.cmpi eq, %arg0, %eq3A : i32
    %convert_element_type3A = arith.extui %eq3A_0 : i1 to i32
    %cond3A = arith.constant 0 : i32
    %cond3A_1 = arith.cmpi ne, %convert_element_type3A, %cond3A : i32
    scf.if %cond3A_1 {
      %get3A_933 = arith.constant 0 : index
      %get3A_934 = arith.constant 0 : index
      %get3A_935 = vector.load %arg2[%get3A_933, %get3A_934] : memref<256x8192xf32, #tpu.memory_space<vmem>>, vector<256x8192xf32>
      %mul3A_936 = arith.mulf %get3A_935, %get3A_935 : vector<256x8192xf32>
      %reduce_sum3A_937 = arith.constant dense<0.000000e+00> : vector<8192xf32>
      %reduce_sum3A_938 = vector.multi_reduction <add>, %mul3A_936, %reduce_sum3A_937 [0] : vector<256x8192xf32> to vector<8192xf32>
      %swap3A_939 = arith.constant 0 : index
      %swap3A_940 = vector.load %arg5[%swap3A_939] : memref<8192xf32, #tpu.memory_space<vmem>>, vector<8192xf32>
      tpu.vector_store %arg5[%swap3A_939], %reduce_sum3A_938 {strides = array<i32>} : memref<8192xf32, #tpu.memory_space<vmem>>, vector<8192xf32>,
    } else {
    }
    %get3A = arith.constant 0 : index
    %get3A_2 = arith.constant 0 : index
    %get3A_3 = vector.load %arg1[%get3A, %get3A_2] : memref<512x256xf32, #tpu.memory_space<vmem>>, vector<512x256xf32>
    %mul3A = arith.constant -2.000000e+00 : f32
    %mul3A_4 = vector.broadcast %mul3A : f32 to vector<512x256xf32>
    %mul3A_5 = arith.mulf %mul3A_4, %get3A_3 : vector<512x256xf32>
    %mul3A_6 = arith.mulf %get3A_3, %get3A_3 : vector<512x256xf32>
    %reduce_sum3A = arith.constant dense<0.000000e+00> : vector<512xf32>
    %reduce_sum3A_7 = vector.multi_reduction <add>, %mul3A_6, %reduce_sum3A [1] : vector<512x256xf32> to vector<512xf32>
    %get3A_8 = arith.constant 0 : index
    %get3A_9 = arith.constant 0 : index
    %get3A_10 = vector.load %arg2[%get3A_8, %get3A_9] : memref<256x8192xf32, #tpu.memory_space<vmem>>, vector<256x8192xf32>
    %dot_general3A = arith.constant dense<0.000000e+00> : vector<512x8192xf32>
    %dot_general3A_11 = tpu.matmul %mul3A_5, %get3A_10, %dot_general3A {dimension_numbers = #tpu.dot_dimension_numbers<[1], [0], [0], [1], [0, 0, 1, 1], [], []>, transpose_lhs_hint = false} : vector<512x256xf32>, vector<256x8192xf32>, vector<512x8192xf32> -> vector<512x8192xf32>
    %slice3A = vector.extract_strided_slice %dot_general3A_11 {offsets = [0, 0], sizes = [512, 128], strides = [1, 1]} : vector<512x8192xf32> to vector<512x128xf32>
    %get3A_12 = arith.constant 0 : index
    %get3A_13 = vector.load %arg5[%get3A_12] : memref<8192xf32, #tpu.memory_space<vmem>>, vector<128xf32>
    %broadcast_in_dim3A = vector.shape_cast %reduce_sum3A_7 : vector<512xf32> to vector<512x1xf32>
    %add3A = vector.broadcast %broadcast_in_dim3A : vector<512x1xf32> to vector<512x128xf32>
    %add3A_14 = arith.addf %add3A, %slice3A : vector<512x128xf32>
    %broadcast_in_dim3A_15 = vector.shape_cast %get3A_13 : vector<128xf32> to vector<1x128xf32>
    %add3A_16 = vector.broadcast %broadcast_in_dim3A_15 : vector<1x128xf32> to vector<512x128xf32>
    %add3A_17 = arith.addf %add3A_14, %add3A_16 : vector<512x128xf32>
    %slice3A_18 = vector.extract_strided_slice %dot_general3A_11 {offsets = [0, 128], sizes = [512, 128], strides = [1, 1]} : vector<512x8192xf32> to vector<512x128xf32>
    %get3A_19 = arith.constant 128 : index
    %get3A_20 = vector.load %arg5[%get3A_19] : memref<8192xf32, #tpu.memory_space<vmem>>, vector<128xf32>
    %broadcast_in_dim3A_21 = vector.shape_cast %reduce_sum3A_7 : vector<512xf32> to vector<512x1xf32>
    %add3A_22 = vector.broadcast %broadcast_in_dim3A_21 : vector<512x1xf32> to vector<512x128xf32>
    %add3A_23 = arith.addf %add3A_22, %slice3A_18 : vector<512x128xf32>
    %broadcast_in_dim3A_24 = vector.shape_cast %get3A_20 : vector<128xf32> to vector<1x128xf32>
    %add3A_25 = vector.broadcast %broadcast_in_dim3A_24 : vector<1x128xf32> to vector<512x128xf32>
    %add3A_26 = arith.addf %add3A_23, %add3A_25 : vector<512x128xf32>
    %lt3A = arith.cmpf olt, %add3A_26, %add3A_17 : vector<512x128xf32>
    %min3A = arith.minimumf %add3A_17, %add3A_26 : vector<512x128xf32>
    %jit3A = arith.constant 1 : i32
    %jit3A_27 = arith.constant 0 : i32
    %broadcast_in_dim3A_28 = vector.broadcast %jit3A : i32 to vector<512x128xi32>
    %broadcast_in_dim3A_29 = vector.broadcast %jit3A_27 : i32 to vector<512x128xi32>
    %select_n3A = arith.select %lt3A, %broadcast_in_dim3A_28, %broadcast_in_dim3A_29 : vector<512x128xi1>, vector<512x128xi32>
    %slice3A_30 = vector.extract_strided_slice %dot_general3A_11 {offsets = [0, 256], sizes = [512, 128], strides = [1, 1]} : vector<512x8192xf32> to vector<512x128xf32>
    %get3A_31 = arith.constant 256 : index
    %get3A_32 = vector.load %arg5[%get3A_31] : memref<8192xf32, #tpu.memory_space<vmem>>, vector<128xf32>
    %broadcast_in_dim3A_33 = vector.shape_cast %reduce_sum3A_7 : vector<512xf32> to vector<512x1xf32>
    %add3A_34 = vector.broadcast %broadcast_in_dim3A_33 : vector<512x1xf32> to vector<512x128xf32>
    %add3A_35 = arith.addf %add3A_34, %slice3A_30 : vector<512x128xf32>
    %broadcast_in_dim3A_36 = vector.shape_cast %get3A_32 : vector<128xf32> to vector<1x128xf32>
    %add3A_37 = vector.broadcast %broadcast_in_dim3A_36 : vector<1x128xf32> to vector<512x128xf32>
    %add3A_38 = arith.addf %add3A_35, %add3A_37 : vector<512x128xf32>
    %slice3A_39 = vector.extract_strided_slice %dot_general3A_11 {offsets = [0, 384], sizes = [512, 128], strides = [1, 1]} : vector<512x8192xf32> to vector<512x128xf32>
    %get3A_40 = arith.constant 384 : index
    %get3A_41 = vector.load %arg5[%get3A_40] : memref<8192xf32, #tpu.memory_space<vmem>>, vector<128xf32>
    %broadcast_in_dim3A_42 = vector.shape_cast %reduce_sum3A_7 : vector<512xf32> to vector<512x1xf32>
    %add3A_43 = vector.broadcast %broadcast_in_dim3A_42 : vector<512x1xf32> to vector<512x128xf32>
    %add3A_44 = arith.addf %add3A_43, %slice3A_39 : vector<512x128xf32>
    %broadcast_in_dim3A_45 = vector.shape_cast %get3A_41 : vector<128xf32> to vector<1x128xf32>
    %add3A_46 = vector.broadcast %broadcast_in_dim3A_45 : vector<1x128xf32> to vector<512x128xf32>
    %add3A_47 = arith.addf %add3A_44, %add3A_46 : vector<512x128xf32>
    %lt3A_48 = arith.cmpf olt, %add3A_47, %add3A_38 : vector<512x128xf32>
    %min3A_49 = arith.minimumf %add3A_38, %add3A_47 : vector<512x128xf32>
    %jit3A_50 = arith.constant 3 : i32
    %jit3A_51 = arith.constant 2 : i32
    %broadcast_in_dim3A_52 = vector.broadcast %jit3A_50 : i32 to vector<512x128xi32>
    %broadcast_in_dim3A_53 = vector.broadcast %jit3A_51 : i32 to vector<512x128xi32>
    %select_n3A_54 = arith.select %lt3A_48, %broadcast_in_dim3A_52, %broadcast_in_dim3A_53 : vector<512x128xi1>, vector<512x128xi32>
    %lt3A_55 = arith.cmpf olt, %min3A_49, %min3A : vector<512x128xf32>
    %select_n3A_56 = arith.select %lt3A_55, %select_n3A_54, %select_n3A : vector<512x128xi1>, vector<512x128xi32>
    %min3A_57 = arith.minimumf %min3A_49, %min3A : vector<512x128xf32>
    %slice3A_58 = vector.extract_strided_slice %dot_general3A_11 {offsets = [0, 512], sizes = [512, 128], strides = [1, 1]} : vector<512x8192xf32> to vector<512x128xf32>
    %get3A_59 = arith.constant 512 : index
    %get3A_60 = vector.load %arg5[%get3A_59] : memref<8192xf32, #tpu.memory_space<vmem>>, vector<128xf32>
    %broadcast_in_dim3A_61 = vector.shape_cast %reduce_sum3A_7 : vector<512xf32> to vector<512x1xf32>
    %add3A_62 = vector.broadcast %broadcast_in_dim3A_61 : vector<512x1xf32> to vector<512x128xf32>
    %add3A_63 = arith.addf %add3A_62, %slice3A_58 : vector<512x128xf32>
    %broadcast_in_dim3A_64 = vector.shape_cast %get3A_60 : vector<128xf32> to vector<1x128xf32>
    %add3A_65 = vector.broadcast %broadcast_in_dim3A_64 : vector<1x128xf32> to vector<512x128xf32>
    %add3A_66 = arith.addf %add3A_63, %add3A_65 : vector<512x128xf32>
    %slice3A_67 = vector.extract_strided_slice %dot_general3A_11 {offsets = [0, 640], sizes = [512, 128], strides = [1, 1]} : vector<512x8192xf32> to vector<512x128xf32>
    %get3A_68 = arith.constant 640 : index
    %get3A_69 = vector.load %arg5[%get3A_68] : memref<8192xf32, #tpu.memory_space<vmem>>, vector<128xf32>
    %broadcast_in_dim3A_70 = vector.shape_cast %reduce_sum3A_7 : vector<512xf32> to vector<512x1xf32>
    %add3A_71 = vector.broadcast %broadcast_in_dim3A_70 : vector<512x1xf32> to vector<512x128xf32>
    %add3A_72 = arith.addf %add3A_71, %slice3A_67 : vector<512x128xf32>
    %broadcast_in_dim3A_73 = vector.shape_cast %get3A_69 : vector<128xf32> to vector<1x128xf32>
    %add3A_74 = vector.broadcast %broadcast_in_dim3A_73 : vector<1x128xf32> to vector<512x128xf32>
    %add3A_75 = arith.addf %add3A_72, %add3A_74 : vector<512x128xf32>
    %lt3A_76 = arith.cmpf olt, %add3A_75, %add3A_66 : vector<512x128xf32>
    %min3A_77 = arith.minimumf %add3A_66, %add3A_75 : vector<512x128xf32>
    %jit3A_78 = arith.constant 5 : i32
    %jit3A_79 = arith.constant 4 : i32
    %broadcast_in_dim3A_80 = vector.broadcast %jit3A_78 : i32 to vector<512x128xi32>
    %broadcast_in_dim3A_81 = vector.broadcast %jit3A_79 : i32 to vector<512x128xi32>
    %select_n3A_82 = arith.select %lt3A_76, %broadcast_in_dim3A_80, %broadcast_in_dim3A_81 : vector<512x128xi1>, vector<512x128xi32>
    %lt3A_83 = arith.cmpf olt, %min3A_77, %min3A_57 : vector<512x128xf32>
    %select_n3A_84 = arith.select %lt3A_83, %select_n3A_82, %select_n3A_56 : vector<512x128xi1>, vector<512x128xi32>
    %min3A_85 = arith.minimumf %min3A_77, %min3A_57 : vector<512x128xf32>
    %slice3A_86 = vector.extract_strided_slice %dot_general3A_11 {offsets = [0, 768], sizes = [512, 128], strides = [1, 1]} : vector<512x8192xf32> to vector<512x128xf32>
    %get3A_87 = arith.constant 768 : index
    %get3A_88 = vector.load %arg5[%get3A_87] : memref<8192xf32, #tpu.memory_space<vmem>>, vector<128xf32>
    %broadcast_in_dim3A_89 = vector.shape_cast %reduce_sum3A_7 : vector<512xf32> to vector<512x1xf32>
    %add3A_90 = vector.broadcast %broadcast_in_dim3A_89 : vector<512x1xf32> to vector<512x128xf32>
    %add3A_91 = arith.addf %add3A_90, %slice3A_86 : vector<512x128xf32>
    %broadcast_in_dim3A_92 = vector.shape_cast %get3A_88 : vector<128xf32> to vector<1x128xf32>
    %add3A_93 = vector.broadcast %broadcast_in_dim3A_92 : vector<1x128xf32> to vector<512x128xf32>
    %add3A_94 = arith.addf %add3A_91, %add3A_93 : vector<512x128xf32>
    %slice3A_95 = vector.extract_strided_slice %dot_general3A_11 {offsets = [0, 896], sizes = [512, 128], strides = [1, 1]} : vector<512x8192xf32> to vector<512x128xf32>
    %get3A_96 = arith.constant 896 : index
    %get3A_97 = vector.load %arg5[%get3A_96] : memref<8192xf32, #tpu.memory_space<vmem>>, vector<128xf32>
    %broadcast_in_dim3A_98 = vector.shape_cast %reduce_sum3A_7 : vector<512xf32> to vector<512x1xf32>
    %add3A_99 = vector.broadcast %broadcast_in_dim3A_98 : vector<512x1xf32> to vector<512x128xf32>
    %add3A_100 = arith.addf %add3A_99, %slice3A_95 : vector<512x128xf32>
    %broadcast_in_dim3A_101 = vector.shape_cast %get3A_97 : vector<128xf32> to vector<1x128xf32>
    %add3A_102 = vector.broadcast %broadcast_in_dim3A_101 : vector<1x128xf32> to vector<512x128xf32>
    %add3A_103 = arith.addf %add3A_100, %add3A_102 : vector<512x128xf32>
    %lt3A_104 = arith.cmpf olt, %add3A_103, %add3A_94 : vector<512x128xf32>
    %min3A_105 = arith.minimumf %add3A_94, %add3A_103 : vector<512x128xf32>
    %jit3A_106 = arith.constant 7 : i32
    %jit3A_107 = arith.constant 6 : i32
    %broadcast_in_dim3A_108 = vector.broadcast %jit3A_106 : i32 to vector<512x128xi32>
    %broadcast_in_dim3A_109 = vector.broadcast %jit3A_107 : i32 to vector<512x128xi32>
    %select_n3A_110 = arith.select %lt3A_104, %broadcast_in_dim3A_108, %broadcast_in_dim3A_109 : vector<512x128xi1>, vector<512x128xi32>
    %lt3A_111 = arith.cmpf olt, %min3A_105, %min3A_85 : vector<512x128xf32>
    %select_n3A_112 = arith.select %lt3A_111, %select_n3A_110, %select_n3A_84 : vector<512x128xi1>, vector<512x128xi32>
    %min3A_113 = arith.minimumf %min3A_105, %min3A_85 : vector<512x128xf32>
    %slice3A_114 = vector.extract_strided_slice %dot_general3A_11 {offsets = [0, 1024], sizes = [512, 128], strides = [1, 1]} : vector<512x8192xf32> to vector<512x128xf32>
    %get3A_115 = arith.constant 1024 : index
    %get3A_116 = vector.load %arg5[%get3A_115] : memref<8192xf32, #tpu.memory_space<vmem>>, vector<128xf32>
    %broadcast_in_dim3A_117 = vector.shape_cast %reduce_sum3A_7 : vector<512xf32> to vector<512x1xf32>
    %add3A_118 = vector.broadcast %broadcast_in_dim3A_117 : vector<512x1xf32> to vector<512x128xf32>
    %add3A_119 = arith.addf %add3A_118, %slice3A_114 : vector<512x128xf32>
    %broadcast_in_dim3A_120 = vector.shape_cast %get3A_116 : vector<128xf32> to vector<1x128xf32>
    %add3A_121 = vector.broadcast %broadcast_in_dim3A_120 : vector<1x128xf32> to vector<512x128xf32>
    %add3A_122 = arith.addf %add3A_119, %add3A_121 : vector<512x128xf32>
    %slice3A_123 = vector.extract_strided_slice %dot_general3A_11 {offsets = [0, 1152], sizes = [512, 128], strides = [1, 1]} : vector<512x8192xf32> to vector<512x128xf32>
    %get3A_124 = arith.constant 1152 : index
    %get3A_125 = vector.load %arg5[%get3A_124] : memref<8192xf32, #tpu.memory_space<vmem>>, vector<128xf32>
    %broadcast_in_dim3A_126 = vector.shape_cast %reduce_sum3A_7 : vector<512xf32> to vector<512x1xf32>
    %add3A_127 = vector.broadcast %broadcast_in_dim3A_126 : vector<512x1xf32> to vector<512x128xf32>
    %add3A_128 = arith.addf %add3A_127, %slice3A_123 : vector<512x128xf32>
    %broadcast_in_dim3A_129 = vector.shape_cast %get3A_125 : vector<128xf32> to vector<1x128xf32>
    %add3A_130 = vector.broadcast %broadcast_in_dim3A_129 : vector<1x128xf32> to vector<512x128xf32>
    %add3A_131 = arith.addf %add3A_128, %add3A_130 : vector<512x128xf32>
    %lt3A_132 = arith.cmpf olt, %add3A_131, %add3A_122 : vector<512x128xf32>
    %min3A_133 = arith.minimumf %add3A_122, %add3A_131 : vector<512x128xf32>
    %jit3A_134 = arith.constant 9 : i32
    %jit3A_135 = arith.constant 8 : i32
    %broadcast_in_dim3A_136 = vector.broadcast %jit3A_134 : i32 to vector<512x128xi32>
    %broadcast_in_dim3A_137 = vector.broadcast %jit3A_135 : i32 to vector<512x128xi32>
    %select_n3A_138 = arith.select %lt3A_132, %broadcast_in_dim3A_136, %broadcast_in_dim3A_137 : vector<512x128xi1>, vector<512x128xi32>
    %lt3A_139 = arith.cmpf olt, %min3A_133, %min3A_113 : vector<512x128xf32>
    %select_n3A_140 = arith.select %lt3A_139, %select_n3A_138, %select_n3A_112 : vector<512x128xi1>, vector<512x128xi32>
    %min3A_141 = arith.minimumf %min3A_133, %min3A_113 : vector<512x128xf32>
    %slice3A_142 = vector.extract_strided_slice %dot_general3A_11 {offsets = [0, 1280], sizes = [512, 128], strides = [1, 1]} : vector<512x8192xf32> to vector<512x128xf32>
    %get3A_143 = arith.constant 1280 : index
    %get3A_144 = vector.load %arg5[%get3A_143] : memref<8192xf32, #tpu.memory_space<vmem>>, vector<128xf32>
    %broadcast_in_dim3A_145 = vector.shape_cast %reduce_sum3A_7 : vector<512xf32> to vector<512x1xf32>
    %add3A_146 = vector.broadcast %broadcast_in_dim3A_145 : vector<512x1xf32> to vector<512x128xf32>
    %add3A_147 = arith.addf %add3A_146, %slice3A_142 : vector<512x128xf32>
    %broadcast_in_dim3A_148 = vector.shape_cast %get3A_144 : vector<128xf32> to vector<1x128xf32>
    %add3A_149 = vector.broadcast %broadcast_in_dim3A_148 : vector<1x128xf32> to vector<512x128xf32>
    %add3A_150 = arith.addf %add3A_147, %add3A_149 : vector<512x128xf32>
    %slice3A_151 = vector.extract_strided_slice %dot_general3A_11 {offsets = [0, 1408], sizes = [512, 128], strides = [1, 1]} : vector<512x8192xf32> to vector<512x128xf32>
    %get3A_152 = arith.constant 1408 : index
    %get3A_153 = vector.load %arg5[%get3A_152] : memref<8192xf32, #tpu.memory_space<vmem>>, vector<128xf32>
    %broadcast_in_dim3A_154 = vector.shape_cast %reduce_sum3A_7 : vector<512xf32> to vector<512x1xf32>
    %add3A_155 = vector.broadcast %broadcast_in_dim3A_154 : vector<512x1xf32> to vector<512x128xf32>
    %add3A_156 = arith.addf %add3A_155, %slice3A_151 : vector<512x128xf32>
    %broadcast_in_dim3A_157 = vector.shape_cast %get3A_153 : vector<128xf32> to vector<1x128xf32>
    %add3A_158 = vector.broadcast %broadcast_in_dim3A_157 : vector<1x128xf32> to vector<512x128xf32>
    %add3A_159 = arith.addf %add3A_156, %add3A_158 : vector<512x128xf32>
    %lt3A_160 = arith.cmpf olt, %add3A_159, %add3A_150 : vector<512x128xf32>
    %min3A_161 = arith.minimumf %add3A_150, %add3A_159 : vector<512x128xf32>
    %jit3A_162 = arith.constant 11 : i32
    %jit3A_163 = arith.constant 10 : i32
    %broadcast_in_dim3A_164 = vector.broadcast %jit3A_162 : i32 to vector<512x128xi32>
    %broadcast_in_dim3A_165 = vector.broadcast %jit3A_163 : i32 to vector<512x128xi32>
    %select_n3A_166 = arith.select %lt3A_160, %broadcast_in_dim3A_164, %broadcast_in_dim3A_165 : vector<512x128xi1>, vector<512x128xi32>
    %lt3A_167 = arith.cmpf olt, %min3A_161, %min3A_141 : vector<512x128xf32>
    %select_n3A_168 = arith.select %lt3A_167, %select_n3A_166, %select_n3A_140 : vector<512x128xi1>, vector<512x128xi32>
    %min3A_169 = arith.minimumf %min3A_161, %min3A_141 : vector<512x128xf32>
    %slice3A_170 = vector.extract_strided_slice %dot_general3A_11 {offsets = [0, 1536], sizes = [512, 128], strides = [1, 1]} : vector<512x8192xf32> to vector<512x128xf32>
    %get3A_171 = arith.constant 1536 : index
    %get3A_172 = vector.load %arg5[%get3A_171] : memref<8192xf32, #tpu.memory_space<vmem>>, vector<128xf32>
    %broadcast_in_dim3A_173 = vector.shape_cast %reduce_sum3A_7 : vector<512xf32> to vector<512x1xf32>
    %add3A_174 = vector.broadcast %broadcast_in_dim3A_173 : vector<512x1xf32> to vector<512x128xf32>
    %add3A_175 = arith.addf %add3A_174, %slice3A_170 : vector<512x128xf32>
    %broadcast_in_dim3A_176 = vector.shape_cast %get3A_172 : vector<128xf32> to vector<1x128xf32>
    %add3A_177 = vector.broadcast %broadcast_in_dim3A_176 : vector<1x128xf32> to vector<512x128xf32>
    %add3A_178 = arith.addf %add3A_175, %add3A_177 : vector<512x128xf32>
    %slice3A_179 = vector.extract_strided_slice %dot_general3A_11 {offsets = [0, 1664], sizes = [512, 128], strides = [1, 1]} : vector<512x8192xf32> to vector<512x128xf32>
    %get3A_180 = arith.constant 1664 : index
    %get3A_181 = vector.load %arg5[%get3A_180] : memref<8192xf32, #tpu.memory_space<vmem>>, vector<128xf32>
    %broadcast_in_dim3A_182 = vector.shape_cast %reduce_sum3A_7 : vector<512xf32> to vector<512x1xf32>
    %add3A_183 = vector.broadcast %broadcast_in_dim3A_182 : vector<512x1xf32> to vector<512x128xf32>
    %add3A_184 = arith.addf %add3A_183, %slice3A_179 : vector<512x128xf32>
    %broadcast_in_dim3A_185 = vector.shape_cast %get3A_181 : vector<128xf32> to vector<1x128xf32>
    %add3A_186 = vector.broadcast %broadcast_in_dim3A_185 : vector<1x128xf32> to vector<512x128xf32>
    %add3A_187 = arith.addf %add3A_184, %add3A_186 : vector<512x128xf32>
    %lt3A_188 = arith.cmpf olt, %add3A_187, %add3A_178 : vector<512x128xf32>
    %min3A_189 = arith.minimumf %add3A_178, %add3A_187 : vector<512x128xf32>
    %jit3A_190 = arith.constant 13 : i32
    %jit3A_191 = arith.constant 12 : i32
    %broadcast_in_dim3A_192 = vector.broadcast %jit3A_190 : i32 to vector<512x128xi32>
    %broadcast_in_dim3A_193 = vector.broadcast %jit3A_191 : i32 to vector<512x128xi32>
    %select_n3A_194 = arith.select %lt3A_188, %broadcast_in_dim3A_192, %broadcast_in_dim3A_193 : vector<512x128xi1>, vector<512x128xi32>
    %lt3A_195 = arith.cmpf olt, %min3A_189, %min3A_169 : vector<512x128xf32>
    %select_n3A_196 = arith.select %lt3A_195, %select_n3A_194, %select_n3A_168 : vector<512x128xi1>, vector<512x128xi32>
    %min3A_197 = arith.minimumf %min3A_189, %min3A_169 : vector<512x128xf32>
    %slice3A_198 = vector.extract_strided_slice %dot_general3A_11 {offsets = [0, 1792], sizes = [512, 128], strides = [1, 1]} : vector<512x8192xf32> to vector<512x128xf32>
    %get3A_199 = arith.constant 1792 : index
    %get3A_200 = vector.load %arg5[%get3A_199] : memref<8192xf32, #tpu.memory_space<vmem>>, vector<128xf32>
    %broadcast_in_dim3A_201 = vector.shape_cast %reduce_sum3A_7 : vector<512xf32> to vector<512x1xf32>
    %add3A_202 = vector.broadcast %broadcast_in_dim3A_201 : vector<512x1xf32> to vector<512x128xf32>
    %add3A_203 = arith.addf %add3A_202, %slice3A_198 : vector<512x128xf32>
    %broadcast_in_dim3A_204 = vector.shape_cast %get3A_200 : vector<128xf32> to vector<1x128xf32>
    %add3A_205 = vector.broadcast %broadcast_in_dim3A_204 : vector<1x128xf32> to vector<512x128xf32>
    %add3A_206 = arith.addf %add3A_203, %add3A_205 : vector<512x128xf32>
    %slice3A_207 = vector.extract_strided_slice %dot_general3A_11 {offsets = [0, 1920], sizes = [512, 128], strides = [1, 1]} : vector<512x8192xf32> to vector<512x128xf32>
    %get3A_208 = arith.constant 1920 : index
    %get3A_209 = vector.load %arg5[%get3A_208] : memref<8192xf32, #tpu.memory_space<vmem>>, vector<128xf32>
    %broadcast_in_dim3A_210 = vector.shape_cast %reduce_sum3A_7 : vector<512xf32> to vector<512x1xf32>
    %add3A_211 = vector.broadcast %broadcast_in_dim3A_210 : vector<512x1xf32> to vector<512x128xf32>
    %add3A_212 = arith.addf %add3A_211, %slice3A_207 : vector<512x128xf32>
    %broadcast_in_dim3A_213 = vector.shape_cast %get3A_209 : vector<128xf32> to vector<1x128xf32>
    %add3A_214 = vector.broadcast %broadcast_in_dim3A_213 : vector<1x128xf32> to vector<512x128xf32>
    %add3A_215 = arith.addf %add3A_212, %add3A_214 : vector<512x128xf32>
    %lt3A_216 = arith.cmpf olt, %add3A_215, %add3A_206 : vector<512x128xf32>
    %min3A_217 = arith.minimumf %add3A_206, %add3A_215 : vector<512x128xf32>
    %jit3A_218 = arith.constant 15 : i32
    %jit3A_219 = arith.constant 14 : i32
    %broadcast_in_dim3A_220 = vector.broadcast %jit3A_218 : i32 to vector<512x128xi32>
    %broadcast_in_dim3A_221 = vector.broadcast %jit3A_219 : i32 to vector<512x128xi32>
    %select_n3A_222 = arith.select %lt3A_216, %broadcast_in_dim3A_220, %broadcast_in_dim3A_221 : vector<512x128xi1>, vector<512x128xi32>
    %lt3A_223 = arith.cmpf olt, %min3A_217, %min3A_197 : vector<512x128xf32>
    %select_n3A_224 = arith.select %lt3A_223, %select_n3A_222, %select_n3A_196 : vector<512x128xi1>, vector<512x128xi32>
    %min3A_225 = arith.minimumf %min3A_217, %min3A_197 : vector<512x128xf32>
    %slice3A_226 = vector.extract_strided_slice %dot_general3A_11 {offsets = [0, 2048], sizes = [512, 128], strides = [1, 1]} : vector<512x8192xf32> to vector<512x128xf32>
    %get3A_227 = arith.constant 2048 : index
    %get3A_228 = vector.load %arg5[%get3A_227] : memref<8192xf32, #tpu.memory_space<vmem>>, vector<128xf32>
    %broadcast_in_dim3A_229 = vector.shape_cast %reduce_sum3A_7 : vector<512xf32> to vector<512x1xf32>
    %add3A_230 = vector.broadcast %broadcast_in_dim3A_229 : vector<512x1xf32> to vector<512x128xf32>
    %add3A_231 = arith.addf %add3A_230, %slice3A_226 : vector<512x128xf32>
    %broadcast_in_dim3A_232 = vector.shape_cast %get3A_228 : vector<128xf32> to vector<1x128xf32>
    %add3A_233 = vector.broadcast %broadcast_in_dim3A_232 : vector<1x128xf32> to vector<512x128xf32>
    %add3A_234 = arith.addf %add3A_231, %add3A_233 : vector<512x128xf32>
    %slice3A_235 = vector.extract_strided_slice %dot_general3A_11 {offsets = [0, 2176], sizes = [512, 128], strides = [1, 1]} : vector<512x8192xf32> to vector<512x128xf32>
    %get3A_236 = arith.constant 2176 : index
    %get3A_237 = vector.load %arg5[%get3A_236] : memref<8192xf32, #tpu.memory_space<vmem>>, vector<128xf32>
    %broadcast_in_dim3A_238 = vector.shape_cast %reduce_sum3A_7 : vector<512xf32> to vector<512x1xf32>
    %add3A_239 = vector.broadcast %broadcast_in_dim3A_238 : vector<512x1xf32> to vector<512x128xf32>
    %add3A_240 = arith.addf %add3A_239, %slice3A_235 : vector<512x128xf32>
    %broadcast_in_dim3A_241 = vector.shape_cast %get3A_237 : vector<128xf32> to vector<1x128xf32>
    %add3A_242 = vector.broadcast %broadcast_in_dim3A_241 : vector<1x128xf32> to vector<512x128xf32>
    %add3A_243 = arith.addf %add3A_240, %add3A_242 : vector<512x128xf32>
    %lt3A_244 = arith.cmpf olt, %add3A_243, %add3A_234 : vector<512x128xf32>
    %min3A_245 = arith.minimumf %add3A_234, %add3A_243 : vector<512x128xf32>
    %jit3A_246 = arith.constant 17 : i32
    %jit3A_247 = arith.constant 16 : i32
    %broadcast_in_dim3A_248 = vector.broadcast %jit3A_246 : i32 to vector<512x128xi32>
    %broadcast_in_dim3A_249 = vector.broadcast %jit3A_247 : i32 to vector<512x128xi32>
    %select_n3A_250 = arith.select %lt3A_244, %broadcast_in_dim3A_248, %broadcast_in_dim3A_249 : vector<512x128xi1>, vector<512x128xi32>
    %lt3A_251 = arith.cmpf olt, %min3A_245, %min3A_225 : vector<512x128xf32>
    %select_n3A_252 = arith.select %lt3A_251, %select_n3A_250, %select_n3A_224 : vector<512x128xi1>, vector<512x128xi32>
    %min3A_253 = arith.minimumf %min3A_245, %min3A_225 : vector<512x128xf32>
    %slice3A_254 = vector.extract_strided_slice %dot_general3A_11 {offsets = [0, 2304], sizes = [512, 128], strides = [1, 1]} : vector<512x8192xf32> to vector<512x128xf32>
    %get3A_255 = arith.constant 2304 : index
    %get3A_256 = vector.load %arg5[%get3A_255] : memref<8192xf32, #tpu.memory_space<vmem>>, vector<128xf32>
    %broadcast_in_dim3A_257 = vector.shape_cast %reduce_sum3A_7 : vector<512xf32> to vector<512x1xf32>
    %add3A_258 = vector.broadcast %broadcast_in_dim3A_257 : vector<512x1xf32> to vector<512x128xf32>
    %add3A_259 = arith.addf %add3A_258, %slice3A_254 : vector<512x128xf32>
    %broadcast_in_dim3A_260 = vector.shape_cast %get3A_256 : vector<128xf32> to vector<1x128xf32>
    %add3A_261 = vector.broadcast %broadcast_in_dim3A_260 : vector<1x128xf32> to vector<512x128xf32>
    %add3A_262 = arith.addf %add3A_259, %add3A_261 : vector<512x128xf32>
    %slice3A_263 = vector.extract_strided_slice %dot_general3A_11 {offsets = [0, 2432], sizes = [512, 128], strides = [1, 1]} : vector<512x8192xf32> to vector<512x128xf32>
    %get3A_264 = arith.constant 2432 : index
    %get3A_265 = vector.load %arg5[%get3A_264] : memref<8192xf32, #tpu.memory_space<vmem>>, vector<128xf32>
    %broadcast_in_dim3A_266 = vector.shape_cast %reduce_sum3A_7 : vector<512xf32> to vector<512x1xf32>
    %add3A_267 = vector.broadcast %broadcast_in_dim3A_266 : vector<512x1xf32> to vector<512x128xf32>
    %add3A_268 = arith.addf %add3A_267, %slice3A_263 : vector<512x128xf32>
    %broadcast_in_dim3A_269 = vector.shape_cast %get3A_265 : vector<128xf32> to vector<1x128xf32>
    %add3A_270 = vector.broadcast %broadcast_in_dim3A_269 : vector<1x128xf32> to vector<512x128xf32>
    %add3A_271 = arith.addf %add3A_268, %add3A_270 : vector<512x128xf32>
    %lt3A_272 = arith.cmpf olt, %add3A_271, %add3A_262 : vector<512x128xf32>
    %min3A_273 = arith.minimumf %add3A_262, %add3A_271 : vector<512x128xf32>
    %jit3A_274 = arith.constant 19 : i32
    %jit3A_275 = arith.constant 18 : i32
    %broadcast_in_dim3A_276 = vector.broadcast %jit3A_274 : i32 to vector<512x128xi32>
    %broadcast_in_dim3A_277 = vector.broadcast %jit3A_275 : i32 to vector<512x128xi32>
    %select_n3A_278 = arith.select %lt3A_272, %broadcast_in_dim3A_276, %broadcast_in_dim3A_277 : vector<512x128xi1>, vector<512x128xi32>
    %lt3A_279 = arith.cmpf olt, %min3A_273, %min3A_253 : vector<512x128xf32>
    %select_n3A_280 = arith.select %lt3A_279, %select_n3A_278, %select_n3A_252 : vector<512x128xi1>, vector<512x128xi32>
    %min3A_281 = arith.minimumf %min3A_273, %min3A_253 : vector<512x128xf32>
    %slice3A_282 = vector.extract_strided_slice %dot_general3A_11 {offsets = [0, 2560], sizes = [512, 128], strides = [1, 1]} : vector<512x8192xf32> to vector<512x128xf32>
    %get3A_283 = arith.constant 2560 : index
    %get3A_284 = vector.load %arg5[%get3A_283] : memref<8192xf32, #tpu.memory_space<vmem>>, vector<128xf32>
    %broadcast_in_dim3A_285 = vector.shape_cast %reduce_sum3A_7 : vector<512xf32> to vector<512x1xf32>
    %add3A_286 = vector.broadcast %broadcast_in_dim3A_285 : vector<512x1xf32> to vector<512x128xf32>
    %add3A_287 = arith.addf %add3A_286, %slice3A_282 : vector<512x128xf32>
    %broadcast_in_dim3A_288 = vector.shape_cast %get3A_284 : vector<128xf32> to vector<1x128xf32>
    %add3A_289 = vector.broadcast %broadcast_in_dim3A_288 : vector<1x128xf32> to vector<512x128xf32>
    %add3A_290 = arith.addf %add3A_287, %add3A_289 : vector<512x128xf32>
    %slice3A_291 = vector.extract_strided_slice %dot_general3A_11 {offsets = [0, 2688], sizes = [512, 128], strides = [1, 1]} : vector<512x8192xf32> to vector<512x128xf32>
    %get3A_292 = arith.constant 2688 : index
    %get3A_293 = vector.load %arg5[%get3A_292] : memref<8192xf32, #tpu.memory_space<vmem>>, vector<128xf32>
    %broadcast_in_dim3A_294 = vector.shape_cast %reduce_sum3A_7 : vector<512xf32> to vector<512x1xf32>
    %add3A_295 = vector.broadcast %broadcast_in_dim3A_294 : vector<512x1xf32> to vector<512x128xf32>
    %add3A_296 = arith.addf %add3A_295, %slice3A_291 : vector<512x128xf32>
    %broadcast_in_dim3A_297 = vector.shape_cast %get3A_293 : vector<128xf32> to vector<1x128xf32>
    %add3A_298 = vector.broadcast %broadcast_in_dim3A_297 : vector<1x128xf32> to vector<512x128xf32>
    %add3A_299 = arith.addf %add3A_296, %add3A_298 : vector<512x128xf32>
    %lt3A_300 = arith.cmpf olt, %add3A_299, %add3A_290 : vector<512x128xf32>
    %min3A_301 = arith.minimumf %add3A_290, %add3A_299 : vector<512x128xf32>
    %jit3A_302 = arith.constant 21 : i32
    %jit3A_303 = arith.constant 20 : i32
    %broadcast_in_dim3A_304 = vector.broadcast %jit3A_302 : i32 to vector<512x128xi32>
    %broadcast_in_dim3A_305 = vector.broadcast %jit3A_303 : i32 to vector<512x128xi32>
    %select_n3A_306 = arith.select %lt3A_300, %broadcast_in_dim3A_304, %broadcast_in_dim3A_305 : vector<512x128xi1>, vector<512x128xi32>
    %lt3A_307 = arith.cmpf olt, %min3A_301, %min3A_281 : vector<512x128xf32>
    %select_n3A_308 = arith.select %lt3A_307, %select_n3A_306, %select_n3A_280 : vector<512x128xi1>, vector<512x128xi32>
    %min3A_309 = arith.minimumf %min3A_301, %min3A_281 : vector<512x128xf32>
    %slice3A_310 = vector.extract_strided_slice %dot_general3A_11 {offsets = [0, 2816], sizes = [512, 128], strides = [1, 1]} : vector<512x8192xf32> to vector<512x128xf32>
    %get3A_311 = arith.constant 2816 : index
    %get3A_312 = vector.load %arg5[%get3A_311] : memref<8192xf32, #tpu.memory_space<vmem>>, vector<128xf32>
    %broadcast_in_dim3A_313 = vector.shape_cast %reduce_sum3A_7 : vector<512xf32> to vector<512x1xf32>
    %add3A_314 = vector.broadcast %broadcast_in_dim3A_313 : vector<512x1xf32> to vector<512x128xf32>
    %add3A_315 = arith.addf %add3A_314, %slice3A_310 : vector<512x128xf32>
    %broadcast_in_dim3A_316 = vector.shape_cast %get3A_312 : vector<128xf32> to vector<1x128xf32>
    %add3A_317 = vector.broadcast %broadcast_in_dim3A_316 : vector<1x128xf32> to vector<512x128xf32>
    %add3A_318 = arith.addf %add3A_315, %add3A_317 : vector<512x128xf32>
    %slice3A_319 = vector.extract_strided_slice %dot_general3A_11 {offsets = [0, 2944], sizes = [512, 128], strides = [1, 1]} : vector<512x8192xf32> to vector<512x128xf32>
    %get3A_320 = arith.constant 2944 : index
    %get3A_321 = vector.load %arg5[%get3A_320] : memref<8192xf32, #tpu.memory_space<vmem>>, vector<128xf32>
    %broadcast_in_dim3A_322 = vector.shape_cast %reduce_sum3A_7 : vector<512xf32> to vector<512x1xf32>
    %add3A_323 = vector.broadcast %broadcast_in_dim3A_322 : vector<512x1xf32> to vector<512x128xf32>
    %add3A_324 = arith.addf %add3A_323, %slice3A_319 : vector<512x128xf32>
    %broadcast_in_dim3A_325 = vector.shape_cast %get3A_321 : vector<128xf32> to vector<1x128xf32>
    %add3A_326 = vector.broadcast %broadcast_in_dim3A_325 : vector<1x128xf32> to vector<512x128xf32>
    %add3A_327 = arith.addf %add3A_324, %add3A_326 : vector<512x128xf32>
    %lt3A_328 = arith.cmpf olt, %add3A_327, %add3A_318 : vector<512x128xf32>
    %min3A_329 = arith.minimumf %add3A_318, %add3A_327 : vector<512x128xf32>
    %jit3A_330 = arith.constant 23 : i32
    %jit3A_331 = arith.constant 22 : i32
    %broadcast_in_dim3A_332 = vector.broadcast %jit3A_330 : i32 to vector<512x128xi32>
    %broadcast_in_dim3A_333 = vector.broadcast %jit3A_331 : i32 to vector<512x128xi32>
    %select_n3A_334 = arith.select %lt3A_328, %broadcast_in_dim3A_332, %broadcast_in_dim3A_333 : vector<512x128xi1>, vector<512x128xi32>
    %lt3A_335 = arith.cmpf olt, %min3A_329, %min3A_309 : vector<512x128xf32>
    %select_n3A_336 = arith.select %lt3A_335, %select_n3A_334, %select_n3A_308 : vector<512x128xi1>, vector<512x128xi32>
    %min3A_337 = arith.minimumf %min3A_329, %min3A_309 : vector<512x128xf32>
    %slice3A_338 = vector.extract_strided_slice %dot_general3A_11 {offsets = [0, 3072], sizes = [512, 128], strides = [1, 1]} : vector<512x8192xf32> to vector<512x128xf32>
    %get3A_339 = arith.constant 3072 : index
    %get3A_340 = vector.load %arg5[%get3A_339] : memref<8192xf32, #tpu.memory_space<vmem>>, vector<128xf32>
    %broadcast_in_dim3A_341 = vector.shape_cast %reduce_sum3A_7 : vector<512xf32> to vector<512x1xf32>
    %add3A_342 = vector.broadcast %broadcast_in_dim3A_341 : vector<512x1xf32> to vector<512x128xf32>
    %add3A_343 = arith.addf %add3A_342, %slice3A_338 : vector<512x128xf32>
    %broadcast_in_dim3A_344 = vector.shape_cast %get3A_340 : vector<128xf32> to vector<1x128xf32>
    %add3A_345 = vector.broadcast %broadcast_in_dim3A_344 : vector<1x128xf32> to vector<512x128xf32>
    %add3A_346 = arith.addf %add3A_343, %add3A_345 : vector<512x128xf32>
    %slice3A_347 = vector.extract_strided_slice %dot_general3A_11 {offsets = [0, 3200], sizes = [512, 128], strides = [1, 1]} : vector<512x8192xf32> to vector<512x128xf32>
    %get3A_348 = arith.constant 3200 : index
    %get3A_349 = vector.load %arg5[%get3A_348] : memref<8192xf32, #tpu.memory_space<vmem>>, vector<128xf32>
    %broadcast_in_dim3A_350 = vector.shape_cast %reduce_sum3A_7 : vector<512xf32> to vector<512x1xf32>
    %add3A_351 = vector.broadcast %broadcast_in_dim3A_350 : vector<512x1xf32> to vector<512x128xf32>
    %add3A_352 = arith.addf %add3A_351, %slice3A_347 : vector<512x128xf32>
    %broadcast_in_dim3A_353 = vector.shape_cast %get3A_349 : vector<128xf32> to vector<1x128xf32>
    %add3A_354 = vector.broadcast %broadcast_in_dim3A_353 : vector<1x128xf32> to vector<512x128xf32>
    %add3A_355 = arith.addf %add3A_352, %add3A_354 : vector<512x128xf32>
    %lt3A_356 = arith.cmpf olt, %add3A_355, %add3A_346 : vector<512x128xf32>
    %min3A_357 = arith.minimumf %add3A_346, %add3A_355 : vector<512x128xf32>
    %jit3A_358 = arith.constant 25 : i32
    %jit3A_359 = arith.constant 24 : i32
    %broadcast_in_dim3A_360 = vector.broadcast %jit3A_358 : i32 to vector<512x128xi32>
    %broadcast_in_dim3A_361 = vector.broadcast %jit3A_359 : i32 to vector<512x128xi32>
    %select_n3A_362 = arith.select %lt3A_356, %broadcast_in_dim3A_360, %broadcast_in_dim3A_361 : vector<512x128xi1>, vector<512x128xi32>
    %lt3A_363 = arith.cmpf olt, %min3A_357, %min3A_337 : vector<512x128xf32>
    %select_n3A_364 = arith.select %lt3A_363, %select_n3A_362, %select_n3A_336 : vector<512x128xi1>, vector<512x128xi32>
    %min3A_365 = arith.minimumf %min3A_357, %min3A_337 : vector<512x128xf32>
    %slice3A_366 = vector.extract_strided_slice %dot_general3A_11 {offsets = [0, 3328], sizes = [512, 128], strides = [1, 1]} : vector<512x8192xf32> to vector<512x128xf32>
    %get3A_367 = arith.constant 3328 : index
    %get3A_368 = vector.load %arg5[%get3A_367] : memref<8192xf32, #tpu.memory_space<vmem>>, vector<128xf32>
    %broadcast_in_dim3A_369 = vector.shape_cast %reduce_sum3A_7 : vector<512xf32> to vector<512x1xf32>
    %add3A_370 = vector.broadcast %broadcast_in_dim3A_369 : vector<512x1xf32> to vector<512x128xf32>
    %add3A_371 = arith.addf %add3A_370, %slice3A_366 : vector<512x128xf32>
    %broadcast_in_dim3A_372 = vector.shape_cast %get3A_368 : vector<128xf32> to vector<1x128xf32>
    %add3A_373 = vector.broadcast %broadcast_in_dim3A_372 : vector<1x128xf32> to vector<512x128xf32>
    %add3A_374 = arith.addf %add3A_371, %add3A_373 : vector<512x128xf32>
    %slice3A_375 = vector.extract_strided_slice %dot_general3A_11 {offsets = [0, 3456], sizes = [512, 128], strides = [1, 1]} : vector<512x8192xf32> to vector<512x128xf32>
    %get3A_376 = arith.constant 3456 : index
    %get3A_377 = vector.load %arg5[%get3A_376] : memref<8192xf32, #tpu.memory_space<vmem>>, vector<128xf32>
    %broadcast_in_dim3A_378 = vector.shape_cast %reduce_sum3A_7 : vector<512xf32> to vector<512x1xf32>
    %add3A_379 = vector.broadcast %broadcast_in_dim3A_378 : vector<512x1xf32> to vector<512x128xf32>
    %add3A_380 = arith.addf %add3A_379, %slice3A_375 : vector<512x128xf32>
    %broadcast_in_dim3A_381 = vector.shape_cast %get3A_377 : vector<128xf32> to vector<1x128xf32>
    %add3A_382 = vector.broadcast %broadcast_in_dim3A_381 : vector<1x128xf32> to vector<512x128xf32>
    %add3A_383 = arith.addf %add3A_380, %add3A_382 : vector<512x128xf32>
    %lt3A_384 = arith.cmpf olt, %add3A_383, %add3A_374 : vector<512x128xf32>
    %min3A_385 = arith.minimumf %add3A_374, %add3A_383 : vector<512x128xf32>
    %jit3A_386 = arith.constant 27 : i32
    %jit3A_387 = arith.constant 26 : i32
    %broadcast_in_dim3A_388 = vector.broadcast %jit3A_386 : i32 to vector<512x128xi32>
    %broadcast_in_dim3A_389 = vector.broadcast %jit3A_387 : i32 to vector<512x128xi32>
    %select_n3A_390 = arith.select %lt3A_384, %broadcast_in_dim3A_388, %broadcast_in_dim3A_389 : vector<512x128xi1>, vector<512x128xi32>
    %lt3A_391 = arith.cmpf olt, %min3A_385, %min3A_365 : vector<512x128xf32>
    %select_n3A_392 = arith.select %lt3A_391, %select_n3A_390, %select_n3A_364 : vector<512x128xi1>, vector<512x128xi32>
    %min3A_393 = arith.minimumf %min3A_385, %min3A_365 : vector<512x128xf32>
    %slice3A_394 = vector.extract_strided_slice %dot_general3A_11 {offsets = [0, 3584], sizes = [512, 128], strides = [1, 1]} : vector<512x8192xf32> to vector<512x128xf32>
    %get3A_395 = arith.constant 3584 : index
    %get3A_396 = vector.load %arg5[%get3A_395] : memref<8192xf32, #tpu.memory_space<vmem>>, vector<128xf32>
    %broadcast_in_dim3A_397 = vector.shape_cast %reduce_sum3A_7 : vector<512xf32> to vector<512x1xf32>
    %add3A_398 = vector.broadcast %broadcast_in_dim3A_397 : vector<512x1xf32> to vector<512x128xf32>
    %add3A_399 = arith.addf %add3A_398, %slice3A_394 : vector<512x128xf32>
    %broadcast_in_dim3A_400 = vector.shape_cast %get3A_396 : vector<128xf32> to vector<1x128xf32>
    %add3A_401 = vector.broadcast %broadcast_in_dim3A_400 : vector<1x128xf32> to vector<512x128xf32>
    %add3A_402 = arith.addf %add3A_399, %add3A_401 : vector<512x128xf32>
    %slice3A_403 = vector.extract_strided_slice %dot_general3A_11 {offsets = [0, 3712], sizes = [512, 128], strides = [1, 1]} : vector<512x8192xf32> to vector<512x128xf32>
    %get3A_404 = arith.constant 3712 : index
    %get3A_405 = vector.load %arg5[%get3A_404] : memref<8192xf32, #tpu.memory_space<vmem>>, vector<128xf32>
    %broadcast_in_dim3A_406 = vector.shape_cast %reduce_sum3A_7 : vector<512xf32> to vector<512x1xf32>
    %add3A_407 = vector.broadcast %broadcast_in_dim3A_406 : vector<512x1xf32> to vector<512x128xf32>
    %add3A_408 = arith.addf %add3A_407, %slice3A_403 : vector<512x128xf32>
    %broadcast_in_dim3A_409 = vector.shape_cast %get3A_405 : vector<128xf32> to vector<1x128xf32>
    %add3A_410 = vector.broadcast %broadcast_in_dim3A_409 : vector<1x128xf32> to vector<512x128xf32>
    %add3A_411 = arith.addf %add3A_408, %add3A_410 : vector<512x128xf32>
    %lt3A_412 = arith.cmpf olt, %add3A_411, %add3A_402 : vector<512x128xf32>
    %min3A_413 = arith.minimumf %add3A_402, %add3A_411 : vector<512x128xf32>
    %jit3A_414 = arith.constant 29 : i32
    %jit3A_415 = arith.constant 28 : i32
    %broadcast_in_dim3A_416 = vector.broadcast %jit3A_414 : i32 to vector<512x128xi32>
    %broadcast_in_dim3A_417 = vector.broadcast %jit3A_415 : i32 to vector<512x128xi32>
    %select_n3A_418 = arith.select %lt3A_412, %broadcast_in_dim3A_416, %broadcast_in_dim3A_417 : vector<512x128xi1>, vector<512x128xi32>
    %lt3A_419 = arith.cmpf olt, %min3A_413, %min3A_393 : vector<512x128xf32>
    %select_n3A_420 = arith.select %lt3A_419, %select_n3A_418, %select_n3A_392 : vector<512x128xi1>, vector<512x128xi32>
    %min3A_421 = arith.minimumf %min3A_413, %min3A_393 : vector<512x128xf32>
    %slice3A_422 = vector.extract_strided_slice %dot_general3A_11 {offsets = [0, 3840], sizes = [512, 128], strides = [1, 1]} : vector<512x8192xf32> to vector<512x128xf32>
    %get3A_423 = arith.constant 3840 : index
    %get3A_424 = vector.load %arg5[%get3A_423] : memref<8192xf32, #tpu.memory_space<vmem>>, vector<128xf32>
    %broadcast_in_dim3A_425 = vector.shape_cast %reduce_sum3A_7 : vector<512xf32> to vector<512x1xf32>
    %add3A_426 = vector.broadcast %broadcast_in_dim3A_425 : vector<512x1xf32> to vector<512x128xf32>
    %add3A_427 = arith.addf %add3A_426, %slice3A_422 : vector<512x128xf32>
    %broadcast_in_dim3A_428 = vector.shape_cast %get3A_424 : vector<128xf32> to vector<1x128xf32>
    %add3A_429 = vector.broadcast %broadcast_in_dim3A_428 : vector<1x128xf32> to vector<512x128xf32>
    %add3A_430 = arith.addf %add3A_427, %add3A_429 : vector<512x128xf32>
    %slice3A_431 = vector.extract_strided_slice %dot_general3A_11 {offsets = [0, 3968], sizes = [512, 128], strides = [1, 1]} : vector<512x8192xf32> to vector<512x128xf32>
    %get3A_432 = arith.constant 3968 : index
    %get3A_433 = vector.load %arg5[%get3A_432] : memref<8192xf32, #tpu.memory_space<vmem>>, vector<128xf32>
    %broadcast_in_dim3A_434 = vector.shape_cast %reduce_sum3A_7 : vector<512xf32> to vector<512x1xf32>
    %add3A_435 = vector.broadcast %broadcast_in_dim3A_434 : vector<512x1xf32> to vector<512x128xf32>
    %add3A_436 = arith.addf %add3A_435, %slice3A_431 : vector<512x128xf32>
    %broadcast_in_dim3A_437 = vector.shape_cast %get3A_433 : vector<128xf32> to vector<1x128xf32>
    %add3A_438 = vector.broadcast %broadcast_in_dim3A_437 : vector<1x128xf32> to vector<512x128xf32>
    %add3A_439 = arith.addf %add3A_436, %add3A_438 : vector<512x128xf32>
    %lt3A_440 = arith.cmpf olt, %add3A_439, %add3A_430 : vector<512x128xf32>
    %min3A_441 = arith.minimumf %add3A_430, %add3A_439 : vector<512x128xf32>
    %jit3A_442 = arith.constant 31 : i32
    %jit3A_443 = arith.constant 30 : i32
    %broadcast_in_dim3A_444 = vector.broadcast %jit3A_442 : i32 to vector<512x128xi32>
    %broadcast_in_dim3A_445 = vector.broadcast %jit3A_443 : i32 to vector<512x128xi32>
    %select_n3A_446 = arith.select %lt3A_440, %broadcast_in_dim3A_444, %broadcast_in_dim3A_445 : vector<512x128xi1>, vector<512x128xi32>
    %lt3A_447 = arith.cmpf olt, %min3A_441, %min3A_421 : vector<512x128xf32>
    %select_n3A_448 = arith.select %lt3A_447, %select_n3A_446, %select_n3A_420 : vector<512x128xi1>, vector<512x128xi32>
    %min3A_449 = arith.minimumf %min3A_441, %min3A_421 : vector<512x128xf32>
    %slice3A_450 = vector.extract_strided_slice %dot_general3A_11 {offsets = [0, 4096], sizes = [512, 128], strides = [1, 1]} : vector<512x8192xf32> to vector<512x128xf32>
    %get3A_451 = arith.constant 4096 : index
    %get3A_452 = vector.load %arg5[%get3A_451] : memref<8192xf32, #tpu.memory_space<vmem>>, vector<128xf32>
    %broadcast_in_dim3A_453 = vector.shape_cast %reduce_sum3A_7 : vector<512xf32> to vector<512x1xf32>
    %add3A_454 = vector.broadcast %broadcast_in_dim3A_453 : vector<512x1xf32> to vector<512x128xf32>
    %add3A_455 = arith.addf %add3A_454, %slice3A_450 : vector<512x128xf32>
    %broadcast_in_dim3A_456 = vector.shape_cast %get3A_452 : vector<128xf32> to vector<1x128xf32>
    %add3A_457 = vector.broadcast %broadcast_in_dim3A_456 : vector<1x128xf32> to vector<512x128xf32>
    %add3A_458 = arith.addf %add3A_455, %add3A_457 : vector<512x128xf32>
    %slice3A_459 = vector.extract_strided_slice %dot_general3A_11 {offsets = [0, 4224], sizes = [512, 128], strides = [1, 1]} : vector<512x8192xf32> to vector<512x128xf32>
    %get3A_460 = arith.constant 4224 : index
    %get3A_461 = vector.load %arg5[%get3A_460] : memref<8192xf32, #tpu.memory_space<vmem>>, vector<128xf32>
    %broadcast_in_dim3A_462 = vector.shape_cast %reduce_sum3A_7 : vector<512xf32> to vector<512x1xf32>
    %add3A_463 = vector.broadcast %broadcast_in_dim3A_462 : vector<512x1xf32> to vector<512x128xf32>
    %add3A_464 = arith.addf %add3A_463, %slice3A_459 : vector<512x128xf32>
    %broadcast_in_dim3A_465 = vector.shape_cast %get3A_461 : vector<128xf32> to vector<1x128xf32>
    %add3A_466 = vector.broadcast %broadcast_in_dim3A_465 : vector<1x128xf32> to vector<512x128xf32>
    %add3A_467 = arith.addf %add3A_464, %add3A_466 : vector<512x128xf32>
    %lt3A_468 = arith.cmpf olt, %add3A_467, %add3A_458 : vector<512x128xf32>
    %min3A_469 = arith.minimumf %add3A_458, %add3A_467 : vector<512x128xf32>
    %jit3A_470 = arith.constant 33 : i32
    %jit3A_471 = arith.constant 32 : i32
    %broadcast_in_dim3A_472 = vector.broadcast %jit3A_470 : i32 to vector<512x128xi32>
    %broadcast_in_dim3A_473 = vector.broadcast %jit3A_471 : i32 to vector<512x128xi32>
    %select_n3A_474 = arith.select %lt3A_468, %broadcast_in_dim3A_472, %broadcast_in_dim3A_473 : vector<512x128xi1>, vector<512x128xi32>
    %lt3A_475 = arith.cmpf olt, %min3A_469, %min3A_449 : vector<512x128xf32>
    %select_n3A_476 = arith.select %lt3A_475, %select_n3A_474, %select_n3A_448 : vector<512x128xi1>, vector<512x128xi32>
    %min3A_477 = arith.minimumf %min3A_469, %min3A_449 : vector<512x128xf32>
    %slice3A_478 = vector.extract_strided_slice %dot_general3A_11 {offsets = [0, 4352], sizes = [512, 128], strides = [1, 1]} : vector<512x8192xf32> to vector<512x128xf32>
    %get3A_479 = arith.constant 4352 : index
    %get3A_480 = vector.load %arg5[%get3A_479] : memref<8192xf32, #tpu.memory_space<vmem>>, vector<128xf32>
    %broadcast_in_dim3A_481 = vector.shape_cast %reduce_sum3A_7 : vector<512xf32> to vector<512x1xf32>
    %add3A_482 = vector.broadcast %broadcast_in_dim3A_481 : vector<512x1xf32> to vector<512x128xf32>
    %add3A_483 = arith.addf %add3A_482, %slice3A_478 : vector<512x128xf32>
    %broadcast_in_dim3A_484 = vector.shape_cast %get3A_480 : vector<128xf32> to vector<1x128xf32>
    %add3A_485 = vector.broadcast %broadcast_in_dim3A_484 : vector<1x128xf32> to vector<512x128xf32>
    %add3A_486 = arith.addf %add3A_483, %add3A_485 : vector<512x128xf32>
    %slice3A_487 = vector.extract_strided_slice %dot_general3A_11 {offsets = [0, 4480], sizes = [512, 128], strides = [1, 1]} : vector<512x8192xf32> to vector<512x128xf32>
    %get3A_488 = arith.constant 4480 : index
    %get3A_489 = vector.load %arg5[%get3A_488] : memref<8192xf32, #tpu.memory_space<vmem>>, vector<128xf32>
    %broadcast_in_dim3A_490 = vector.shape_cast %reduce_sum3A_7 : vector<512xf32> to vector<512x1xf32>
    %add3A_491 = vector.broadcast %broadcast_in_dim3A_490 : vector<512x1xf32> to vector<512x128xf32>
    %add3A_492 = arith.addf %add3A_491, %slice3A_487 : vector<512x128xf32>
    %broadcast_in_dim3A_493 = vector.shape_cast %get3A_489 : vector<128xf32> to vector<1x128xf32>
    %add3A_494 = vector.broadcast %broadcast_in_dim3A_493 : vector<1x128xf32> to vector<512x128xf32>
    %add3A_495 = arith.addf %add3A_492, %add3A_494 : vector<512x128xf32>
    %lt3A_496 = arith.cmpf olt, %add3A_495, %add3A_486 : vector<512x128xf32>
    %min3A_497 = arith.minimumf %add3A_486, %add3A_495 : vector<512x128xf32>
    %jit3A_498 = arith.constant 35 : i32
    %jit3A_499 = arith.constant 34 : i32
    %broadcast_in_dim3A_500 = vector.broadcast %jit3A_498 : i32 to vector<512x128xi32>
    %broadcast_in_dim3A_501 = vector.broadcast %jit3A_499 : i32 to vector<512x128xi32>
    %select_n3A_502 = arith.select %lt3A_496, %broadcast_in_dim3A_500, %broadcast_in_dim3A_501 : vector<512x128xi1>, vector<512x128xi32>
    %lt3A_503 = arith.cmpf olt, %min3A_497, %min3A_477 : vector<512x128xf32>
    %select_n3A_504 = arith.select %lt3A_503, %select_n3A_502, %select_n3A_476 : vector<512x128xi1>, vector<512x128xi32>
    %min3A_505 = arith.minimumf %min3A_497, %min3A_477 : vector<512x128xf32>
    %slice3A_506 = vector.extract_strided_slice %dot_general3A_11 {offsets = [0, 4608], sizes = [512, 128], strides = [1, 1]} : vector<512x8192xf32> to vector<512x128xf32>
    %get3A_507 = arith.constant 4608 : index
    %get3A_508 = vector.load %arg5[%get3A_507] : memref<8192xf32, #tpu.memory_space<vmem>>, vector<128xf32>
    %broadcast_in_dim3A_509 = vector.shape_cast %reduce_sum3A_7 : vector<512xf32> to vector<512x1xf32>
    %add3A_510 = vector.broadcast %broadcast_in_dim3A_509 : vector<512x1xf32> to vector<512x128xf32>
    %add3A_511 = arith.addf %add3A_510, %slice3A_506 : vector<512x128xf32>
    %broadcast_in_dim3A_512 = vector.shape_cast %get3A_508 : vector<128xf32> to vector<1x128xf32>
    %add3A_513 = vector.broadcast %broadcast_in_dim3A_512 : vector<1x128xf32> to vector<512x128xf32>
    %add3A_514 = arith.addf %add3A_511, %add3A_513 : vector<512x128xf32>
    %slice3A_515 = vector.extract_strided_slice %dot_general3A_11 {offsets = [0, 4736], sizes = [512, 128], strides = [1, 1]} : vector<512x8192xf32> to vector<512x128xf32>
    %get3A_516 = arith.constant 4736 : index
    %get3A_517 = vector.load %arg5[%get3A_516] : memref<8192xf32, #tpu.memory_space<vmem>>, vector<128xf32>
    %broadcast_in_dim3A_518 = vector.shape_cast %reduce_sum3A_7 : vector<512xf32> to vector<512x1xf32>
    %add3A_519 = vector.broadcast %broadcast_in_dim3A_518 : vector<512x1xf32> to vector<512x128xf32>
    %add3A_520 = arith.addf %add3A_519, %slice3A_515 : vector<512x128xf32>
    %broadcast_in_dim3A_521 = vector.shape_cast %get3A_517 : vector<128xf32> to vector<1x128xf32>
    %add3A_522 = vector.broadcast %broadcast_in_dim3A_521 : vector<1x128xf32> to vector<512x128xf32>
    %add3A_523 = arith.addf %add3A_520, %add3A_522 : vector<512x128xf32>
    %lt3A_524 = arith.cmpf olt, %add3A_523, %add3A_514 : vector<512x128xf32>
    %min3A_525 = arith.minimumf %add3A_514, %add3A_523 : vector<512x128xf32>
    %jit3A_526 = arith.constant 37 : i32
    %jit3A_527 = arith.constant 36 : i32
    %broadcast_in_dim3A_528 = vector.broadcast %jit3A_526 : i32 to vector<512x128xi32>
    %broadcast_in_dim3A_529 = vector.broadcast %jit3A_527 : i32 to vector<512x128xi32>
    %select_n3A_530 = arith.select %lt3A_524, %broadcast_in_dim3A_528, %broadcast_in_dim3A_529 : vector<512x128xi1>, vector<512x128xi32>
    %lt3A_531 = arith.cmpf olt, %min3A_525, %min3A_505 : vector<512x128xf32>
    %select_n3A_532 = arith.select %lt3A_531, %select_n3A_530, %select_n3A_504 : vector<512x128xi1>, vector<512x128xi32>
    %min3A_533 = arith.minimumf %min3A_525, %min3A_505 : vector<512x128xf32>
    %slice3A_534 = vector.extract_strided_slice %dot_general3A_11 {offsets = [0, 4864], sizes = [512, 128], strides = [1, 1]} : vector<512x8192xf32> to vector<512x128xf32>
    %get3A_535 = arith.constant 4864 : index
    %get3A_536 = vector.load %arg5[%get3A_535] : memref<8192xf32, #tpu.memory_space<vmem>>, vector<128xf32>
    %broadcast_in_dim3A_537 = vector.shape_cast %reduce_sum3A_7 : vector<512xf32> to vector<512x1xf32>
    %add3A_538 = vector.broadcast %broadcast_in_dim3A_537 : vector<512x1xf32> to vector<512x128xf32>
    %add3A_539 = arith.addf %add3A_538, %slice3A_534 : vector<512x128xf32>
    %broadcast_in_dim3A_540 = vector.shape_cast %get3A_536 : vector<128xf32> to vector<1x128xf32>
    %add3A_541 = vector.broadcast %broadcast_in_dim3A_540 : vector<1x128xf32> to vector<512x128xf32>
    %add3A_542 = arith.addf %add3A_539, %add3A_541 : vector<512x128xf32>
    %slice3A_543 = vector.extract_strided_slice %dot_general3A_11 {offsets = [0, 4992], sizes = [512, 128], strides = [1, 1]} : vector<512x8192xf32> to vector<512x128xf32>
    %get3A_544 = arith.constant 4992 : index
    %get3A_545 = vector.load %arg5[%get3A_544] : memref<8192xf32, #tpu.memory_space<vmem>>, vector<128xf32>
    %broadcast_in_dim3A_546 = vector.shape_cast %reduce_sum3A_7 : vector<512xf32> to vector<512x1xf32>
    %add3A_547 = vector.broadcast %broadcast_in_dim3A_546 : vector<512x1xf32> to vector<512x128xf32>
    %add3A_548 = arith.addf %add3A_547, %slice3A_543 : vector<512x128xf32>
    %broadcast_in_dim3A_549 = vector.shape_cast %get3A_545 : vector<128xf32> to vector<1x128xf32>
    %add3A_550 = vector.broadcast %broadcast_in_dim3A_549 : vector<1x128xf32> to vector<512x128xf32>
    %add3A_551 = arith.addf %add3A_548, %add3A_550 : vector<512x128xf32>
    %lt3A_552 = arith.cmpf olt, %add3A_551, %add3A_542 : vector<512x128xf32>
    %min3A_553 = arith.minimumf %add3A_542, %add3A_551 : vector<512x128xf32>
    %jit3A_554 = arith.constant 39 : i32
    %jit3A_555 = arith.constant 38 : i32
    %broadcast_in_dim3A_556 = vector.broadcast %jit3A_554 : i32 to vector<512x128xi32>
    %broadcast_in_dim3A_557 = vector.broadcast %jit3A_555 : i32 to vector<512x128xi32>
    %select_n3A_558 = arith.select %lt3A_552, %broadcast_in_dim3A_556, %broadcast_in_dim3A_557 : vector<512x128xi1>, vector<512x128xi32>
    %lt3A_559 = arith.cmpf olt, %min3A_553, %min3A_533 : vector<512x128xf32>
    %select_n3A_560 = arith.select %lt3A_559, %select_n3A_558, %select_n3A_532 : vector<512x128xi1>, vector<512x128xi32>
    %min3A_561 = arith.minimumf %min3A_553, %min3A_533 : vector<512x128xf32>
    %slice3A_562 = vector.extract_strided_slice %dot_general3A_11 {offsets = [0, 5120], sizes = [512, 128], strides = [1, 1]} : vector<512x8192xf32> to vector<512x128xf32>
    %get3A_563 = arith.constant 5120 : index
    %get3A_564 = vector.load %arg5[%get3A_563] : memref<8192xf32, #tpu.memory_space<vmem>>, vector<128xf32>
    %broadcast_in_dim3A_565 = vector.shape_cast %reduce_sum3A_7 : vector<512xf32> to vector<512x1xf32>
    %add3A_566 = vector.broadcast %broadcast_in_dim3A_565 : vector<512x1xf32> to vector<512x128xf32>
    %add3A_567 = arith.addf %add3A_566, %slice3A_562 : vector<512x128xf32>
    %broadcast_in_dim3A_568 = vector.shape_cast %get3A_564 : vector<128xf32> to vector<1x128xf32>
    %add3A_569 = vector.broadcast %broadcast_in_dim3A_568 : vector<1x128xf32> to vector<512x128xf32>
    %add3A_570 = arith.addf %add3A_567, %add3A_569 : vector<512x128xf32>
    %slice3A_571 = vector.extract_strided_slice %dot_general3A_11 {offsets = [0, 5248], sizes = [512, 128], strides = [1, 1]} : vector<512x8192xf32> to vector<512x128xf32>
    %get3A_572 = arith.constant 5248 : index
    %get3A_573 = vector.load %arg5[%get3A_572] : memref<8192xf32, #tpu.memory_space<vmem>>, vector<128xf32>
    %broadcast_in_dim3A_574 = vector.shape_cast %reduce_sum3A_7 : vector<512xf32> to vector<512x1xf32>
    %add3A_575 = vector.broadcast %broadcast_in_dim3A_574 : vector<512x1xf32> to vector<512x128xf32>
    %add3A_576 = arith.addf %add3A_575, %slice3A_571 : vector<512x128xf32>
    %broadcast_in_dim3A_577 = vector.shape_cast %get3A_573 : vector<128xf32> to vector<1x128xf32>
    %add3A_578 = vector.broadcast %broadcast_in_dim3A_577 : vector<1x128xf32> to vector<512x128xf32>
    %add3A_579 = arith.addf %add3A_576, %add3A_578 : vector<512x128xf32>
    %lt3A_580 = arith.cmpf olt, %add3A_579, %add3A_570 : vector<512x128xf32>
    %min3A_581 = arith.minimumf %add3A_570, %add3A_579 : vector<512x128xf32>
    %jit3A_582 = arith.constant 41 : i32
    %jit3A_583 = arith.constant 40 : i32
    %broadcast_in_dim3A_584 = vector.broadcast %jit3A_582 : i32 to vector<512x128xi32>
    %broadcast_in_dim3A_585 = vector.broadcast %jit3A_583 : i32 to vector<512x128xi32>
    %select_n3A_586 = arith.select %lt3A_580, %broadcast_in_dim3A_584, %broadcast_in_dim3A_585 : vector<512x128xi1>, vector<512x128xi32>
    %lt3A_587 = arith.cmpf olt, %min3A_581, %min3A_561 : vector<512x128xf32>
    %select_n3A_588 = arith.select %lt3A_587, %select_n3A_586, %select_n3A_560 : vector<512x128xi1>, vector<512x128xi32>
    %min3A_589 = arith.minimumf %min3A_581, %min3A_561 : vector<512x128xf32>
    %slice3A_590 = vector.extract_strided_slice %dot_general3A_11 {offsets = [0, 5376], sizes = [512, 128], strides = [1, 1]} : vector<512x8192xf32> to vector<512x128xf32>
    %get3A_591 = arith.constant 5376 : index
    %get3A_592 = vector.load %arg5[%get3A_591] : memref<8192xf32, #tpu.memory_space<vmem>>, vector<128xf32>
    %broadcast_in_dim3A_593 = vector.shape_cast %reduce_sum3A_7 : vector<512xf32> to vector<512x1xf32>
    %add3A_594 = vector.broadcast %broadcast_in_dim3A_593 : vector<512x1xf32> to vector<512x128xf32>
    %add3A_595 = arith.addf %add3A_594, %slice3A_590 : vector<512x128xf32>
    %broadcast_in_dim3A_596 = vector.shape_cast %get3A_592 : vector<128xf32> to vector<1x128xf32>
    %add3A_597 = vector.broadcast %broadcast_in_dim3A_596 : vector<1x128xf32> to vector<512x128xf32>
    %add3A_598 = arith.addf %add3A_595, %add3A_597 : vector<512x128xf32>
    %slice3A_599 = vector.extract_strided_slice %dot_general3A_11 {offsets = [0, 5504], sizes = [512, 128], strides = [1, 1]} : vector<512x8192xf32> to vector<512x128xf32>
    %get3A_600 = arith.constant 5504 : index
    %get3A_601 = vector.load %arg5[%get3A_600] : memref<8192xf32, #tpu.memory_space<vmem>>, vector<128xf32>
    %broadcast_in_dim3A_602 = vector.shape_cast %reduce_sum3A_7 : vector<512xf32> to vector<512x1xf32>
    %add3A_603 = vector.broadcast %broadcast_in_dim3A_602 : vector<512x1xf32> to vector<512x128xf32>
    %add3A_604 = arith.addf %add3A_603, %slice3A_599 : vector<512x128xf32>
    %broadcast_in_dim3A_605 = vector.shape_cast %get3A_601 : vector<128xf32> to vector<1x128xf32>
    %add3A_606 = vector.broadcast %broadcast_in_dim3A_605 : vector<1x128xf32> to vector<512x128xf32>
    %add3A_607 = arith.addf %add3A_604, %add3A_606 : vector<512x128xf32>
    %lt3A_608 = arith.cmpf olt, %add3A_607, %add3A_598 : vector<512x128xf32>
    %min3A_609 = arith.minimumf %add3A_598, %add3A_607 : vector<512x128xf32>
    %jit3A_610 = arith.constant 43 : i32
    %jit3A_611 = arith.constant 42 : i32
    %broadcast_in_dim3A_612 = vector.broadcast %jit3A_610 : i32 to vector<512x128xi32>
    %broadcast_in_dim3A_613 = vector.broadcast %jit3A_611 : i32 to vector<512x128xi32>
    %select_n3A_614 = arith.select %lt3A_608, %broadcast_in_dim3A_612, %broadcast_in_dim3A_613 : vector<512x128xi1>, vector<512x128xi32>
    %lt3A_615 = arith.cmpf olt, %min3A_609, %min3A_589 : vector<512x128xf32>
    %select_n3A_616 = arith.select %lt3A_615, %select_n3A_614, %select_n3A_588 : vector<512x128xi1>, vector<512x128xi32>
    %min3A_617 = arith.minimumf %min3A_609, %min3A_589 : vector<512x128xf32>
    %slice3A_618 = vector.extract_strided_slice %dot_general3A_11 {offsets = [0, 5632], sizes = [512, 128], strides = [1, 1]} : vector<512x8192xf32> to vector<512x128xf32>
    %get3A_619 = arith.constant 5632 : index
    %get3A_620 = vector.load %arg5[%get3A_619] : memref<8192xf32, #tpu.memory_space<vmem>>, vector<128xf32>
    %broadcast_in_dim3A_621 = vector.shape_cast %reduce_sum3A_7 : vector<512xf32> to vector<512x1xf32>
    %add3A_622 = vector.broadcast %broadcast_in_dim3A_621 : vector<512x1xf32> to vector<512x128xf32>
    %add3A_623 = arith.addf %add3A_622, %slice3A_618 : vector<512x128xf32>
    %broadcast_in_dim3A_624 = vector.shape_cast %get3A_620 : vector<128xf32> to vector<1x128xf32>
    %add3A_625 = vector.broadcast %broadcast_in_dim3A_624 : vector<1x128xf32> to vector<512x128xf32>
    %add3A_626 = arith.addf %add3A_623, %add3A_625 : vector<512x128xf32>
    %slice3A_627 = vector.extract_strided_slice %dot_general3A_11 {offsets = [0, 5760], sizes = [512, 128], strides = [1, 1]} : vector<512x8192xf32> to vector<512x128xf32>
    %get3A_628 = arith.constant 5760 : index
    %get3A_629 = vector.load %arg5[%get3A_628] : memref<8192xf32, #tpu.memory_space<vmem>>, vector<128xf32>
    %broadcast_in_dim3A_630 = vector.shape_cast %reduce_sum3A_7 : vector<512xf32> to vector<512x1xf32>
    %add3A_631 = vector.broadcast %broadcast_in_dim3A_630 : vector<512x1xf32> to vector<512x128xf32>
    %add3A_632 = arith.addf %add3A_631, %slice3A_627 : vector<512x128xf32>
    %broadcast_in_dim3A_633 = vector.shape_cast %get3A_629 : vector<128xf32> to vector<1x128xf32>
    %add3A_634 = vector.broadcast %broadcast_in_dim3A_633 : vector<1x128xf32> to vector<512x128xf32>
    %add3A_635 = arith.addf %add3A_632, %add3A_634 : vector<512x128xf32>
    %lt3A_636 = arith.cmpf olt, %add3A_635, %add3A_626 : vector<512x128xf32>
    %min3A_637 = arith.minimumf %add3A_626, %add3A_635 : vector<512x128xf32>
    %jit3A_638 = arith.constant 45 : i32
    %jit3A_639 = arith.constant 44 : i32
    %broadcast_in_dim3A_640 = vector.broadcast %jit3A_638 : i32 to vector<512x128xi32>
    %broadcast_in_dim3A_641 = vector.broadcast %jit3A_639 : i32 to vector<512x128xi32>
    %select_n3A_642 = arith.select %lt3A_636, %broadcast_in_dim3A_640, %broadcast_in_dim3A_641 : vector<512x128xi1>, vector<512x128xi32>
    %lt3A_643 = arith.cmpf olt, %min3A_637, %min3A_617 : vector<512x128xf32>
    %select_n3A_644 = arith.select %lt3A_643, %select_n3A_642, %select_n3A_616 : vector<512x128xi1>, vector<512x128xi32>
    %min3A_645 = arith.minimumf %min3A_637, %min3A_617 : vector<512x128xf32>
    %slice3A_646 = vector.extract_strided_slice %dot_general3A_11 {offsets = [0, 5888], sizes = [512, 128], strides = [1, 1]} : vector<512x8192xf32> to vector<512x128xf32>
    %get3A_647 = arith.constant 5888 : index
    %get3A_648 = vector.load %arg5[%get3A_647] : memref<8192xf32, #tpu.memory_space<vmem>>, vector<128xf32>
    %broadcast_in_dim3A_649 = vector.shape_cast %reduce_sum3A_7 : vector<512xf32> to vector<512x1xf32>
    %add3A_650 = vector.broadcast %broadcast_in_dim3A_649 : vector<512x1xf32> to vector<512x128xf32>
    %add3A_651 = arith.addf %add3A_650, %slice3A_646 : vector<512x128xf32>
    %broadcast_in_dim3A_652 = vector.shape_cast %get3A_648 : vector<128xf32> to vector<1x128xf32>
    %add3A_653 = vector.broadcast %broadcast_in_dim3A_652 : vector<1x128xf32> to vector<512x128xf32>
    %add3A_654 = arith.addf %add3A_651, %add3A_653 : vector<512x128xf32>
    %slice3A_655 = vector.extract_strided_slice %dot_general3A_11 {offsets = [0, 6016], sizes = [512, 128], strides = [1, 1]} : vector<512x8192xf32> to vector<512x128xf32>
    %get3A_656 = arith.constant 6016 : index
    %get3A_657 = vector.load %arg5[%get3A_656] : memref<8192xf32, #tpu.memory_space<vmem>>, vector<128xf32>
    %broadcast_in_dim3A_658 = vector.shape_cast %reduce_sum3A_7 : vector<512xf32> to vector<512x1xf32>
    %add3A_659 = vector.broadcast %broadcast_in_dim3A_658 : vector<512x1xf32> to vector<512x128xf32>
    %add3A_660 = arith.addf %add3A_659, %slice3A_655 : vector<512x128xf32>
    %broadcast_in_dim3A_661 = vector.shape_cast %get3A_657 : vector<128xf32> to vector<1x128xf32>
    %add3A_662 = vector.broadcast %broadcast_in_dim3A_661 : vector<1x128xf32> to vector<512x128xf32>
    %add3A_663 = arith.addf %add3A_660, %add3A_662 : vector<512x128xf32>
    %lt3A_664 = arith.cmpf olt, %add3A_663, %add3A_654 : vector<512x128xf32>
    %min3A_665 = arith.minimumf %add3A_654, %add3A_663 : vector<512x128xf32>
    %jit3A_666 = arith.constant 47 : i32
    %jit3A_667 = arith.constant 46 : i32
    %broadcast_in_dim3A_668 = vector.broadcast %jit3A_666 : i32 to vector<512x128xi32>
    %broadcast_in_dim3A_669 = vector.broadcast %jit3A_667 : i32 to vector<512x128xi32>
    %select_n3A_670 = arith.select %lt3A_664, %broadcast_in_dim3A_668, %broadcast_in_dim3A_669 : vector<512x128xi1>, vector<512x128xi32>
    %lt3A_671 = arith.cmpf olt, %min3A_665, %min3A_645 : vector<512x128xf32>
    %select_n3A_672 = arith.select %lt3A_671, %select_n3A_670, %select_n3A_644 : vector<512x128xi1>, vector<512x128xi32>
    %min3A_673 = arith.minimumf %min3A_665, %min3A_645 : vector<512x128xf32>
    %slice3A_674 = vector.extract_strided_slice %dot_general3A_11 {offsets = [0, 6144], sizes = [512, 128], strides = [1, 1]} : vector<512x8192xf32> to vector<512x128xf32>
    %get3A_675 = arith.constant 6144 : index
    %get3A_676 = vector.load %arg5[%get3A_675] : memref<8192xf32, #tpu.memory_space<vmem>>, vector<128xf32>
    %broadcast_in_dim3A_677 = vector.shape_cast %reduce_sum3A_7 : vector<512xf32> to vector<512x1xf32>
    %add3A_678 = vector.broadcast %broadcast_in_dim3A_677 : vector<512x1xf32> to vector<512x128xf32>
    %add3A_679 = arith.addf %add3A_678, %slice3A_674 : vector<512x128xf32>
    %broadcast_in_dim3A_680 = vector.shape_cast %get3A_676 : vector<128xf32> to vector<1x128xf32>
    %add3A_681 = vector.broadcast %broadcast_in_dim3A_680 : vector<1x128xf32> to vector<512x128xf32>
    %add3A_682 = arith.addf %add3A_679, %add3A_681 : vector<512x128xf32>
    %slice3A_683 = vector.extract_strided_slice %dot_general3A_11 {offsets = [0, 6272], sizes = [512, 128], strides = [1, 1]} : vector<512x8192xf32> to vector<512x128xf32>
    %get3A_684 = arith.constant 6272 : index
    %get3A_685 = vector.load %arg5[%get3A_684] : memref<8192xf32, #tpu.memory_space<vmem>>, vector<128xf32>
    %broadcast_in_dim3A_686 = vector.shape_cast %reduce_sum3A_7 : vector<512xf32> to vector<512x1xf32>
    %add3A_687 = vector.broadcast %broadcast_in_dim3A_686 : vector<512x1xf32> to vector<512x128xf32>
    %add3A_688 = arith.addf %add3A_687, %slice3A_683 : vector<512x128xf32>
    %broadcast_in_dim3A_689 = vector.shape_cast %get3A_685 : vector<128xf32> to vector<1x128xf32>
    %add3A_690 = vector.broadcast %broadcast_in_dim3A_689 : vector<1x128xf32> to vector<512x128xf32>
    %add3A_691 = arith.addf %add3A_688, %add3A_690 : vector<512x128xf32>
    %lt3A_692 = arith.cmpf olt, %add3A_691, %add3A_682 : vector<512x128xf32>
    %min3A_693 = arith.minimumf %add3A_682, %add3A_691 : vector<512x128xf32>
    %jit3A_694 = arith.constant 49 : i32
    %jit3A_695 = arith.constant 48 : i32
    %broadcast_in_dim3A_696 = vector.broadcast %jit3A_694 : i32 to vector<512x128xi32>
    %broadcast_in_dim3A_697 = vector.broadcast %jit3A_695 : i32 to vector<512x128xi32>
    %select_n3A_698 = arith.select %lt3A_692, %broadcast_in_dim3A_696, %broadcast_in_dim3A_697 : vector<512x128xi1>, vector<512x128xi32>
    %lt3A_699 = arith.cmpf olt, %min3A_693, %min3A_673 : vector<512x128xf32>
    %select_n3A_700 = arith.select %lt3A_699, %select_n3A_698, %select_n3A_672 : vector<512x128xi1>, vector<512x128xi32>
    %min3A_701 = arith.minimumf %min3A_693, %min3A_673 : vector<512x128xf32>
    %slice3A_702 = vector.extract_strided_slice %dot_general3A_11 {offsets = [0, 6400], sizes = [512, 128], strides = [1, 1]} : vector<512x8192xf32> to vector<512x128xf32>
    %get3A_703 = arith.constant 6400 : index
    %get3A_704 = vector.load %arg5[%get3A_703] : memref<8192xf32, #tpu.memory_space<vmem>>, vector<128xf32>
    %broadcast_in_dim3A_705 = vector.shape_cast %reduce_sum3A_7 : vector<512xf32> to vector<512x1xf32>
    %add3A_706 = vector.broadcast %broadcast_in_dim3A_705 : vector<512x1xf32> to vector<512x128xf32>
    %add3A_707 = arith.addf %add3A_706, %slice3A_702 : vector<512x128xf32>
    %broadcast_in_dim3A_708 = vector.shape_cast %get3A_704 : vector<128xf32> to vector<1x128xf32>
    %add3A_709 = vector.broadcast %broadcast_in_dim3A_708 : vector<1x128xf32> to vector<512x128xf32>
    %add3A_710 = arith.addf %add3A_707, %add3A_709 : vector<512x128xf32>
    %slice3A_711 = vector.extract_strided_slice %dot_general3A_11 {offsets = [0, 6528], sizes = [512, 128], strides = [1, 1]} : vector<512x8192xf32> to vector<512x128xf32>
    %get3A_712 = arith.constant 6528 : index
    %get3A_713 = vector.load %arg5[%get3A_712] : memref<8192xf32, #tpu.memory_space<vmem>>, vector<128xf32>
    %broadcast_in_dim3A_714 = vector.shape_cast %reduce_sum3A_7 : vector<512xf32> to vector<512x1xf32>
    %add3A_715 = vector.broadcast %broadcast_in_dim3A_714 : vector<512x1xf32> to vector<512x128xf32>
    %add3A_716 = arith.addf %add3A_715, %slice3A_711 : vector<512x128xf32>
    %broadcast_in_dim3A_717 = vector.shape_cast %get3A_713 : vector<128xf32> to vector<1x128xf32>
    %add3A_718 = vector.broadcast %broadcast_in_dim3A_717 : vector<1x128xf32> to vector<512x128xf32>
    %add3A_719 = arith.addf %add3A_716, %add3A_718 : vector<512x128xf32>
    %lt3A_720 = arith.cmpf olt, %add3A_719, %add3A_710 : vector<512x128xf32>
    %min3A_721 = arith.minimumf %add3A_710, %add3A_719 : vector<512x128xf32>
    %jit3A_722 = arith.constant 51 : i32
    %jit3A_723 = arith.constant 50 : i32
    %broadcast_in_dim3A_724 = vector.broadcast %jit3A_722 : i32 to vector<512x128xi32>
    %broadcast_in_dim3A_725 = vector.broadcast %jit3A_723 : i32 to vector<512x128xi32>
    %select_n3A_726 = arith.select %lt3A_720, %broadcast_in_dim3A_724, %broadcast_in_dim3A_725 : vector<512x128xi1>, vector<512x128xi32>
    %lt3A_727 = arith.cmpf olt, %min3A_721, %min3A_701 : vector<512x128xf32>
    %select_n3A_728 = arith.select %lt3A_727, %select_n3A_726, %select_n3A_700 : vector<512x128xi1>, vector<512x128xi32>
    %min3A_729 = arith.minimumf %min3A_721, %min3A_701 : vector<512x128xf32>
    %slice3A_730 = vector.extract_strided_slice %dot_general3A_11 {offsets = [0, 6656], sizes = [512, 128], strides = [1, 1]} : vector<512x8192xf32> to vector<512x128xf32>
    %get3A_731 = arith.constant 6656 : index
    %get3A_732 = vector.load %arg5[%get3A_731] : memref<8192xf32, #tpu.memory_space<vmem>>, vector<128xf32>
    %broadcast_in_dim3A_733 = vector.shape_cast %reduce_sum3A_7 : vector<512xf32> to vector<512x1xf32>
    %add3A_734 = vector.broadcast %broadcast_in_dim3A_733 : vector<512x1xf32> to vector<512x128xf32>
    %add3A_735 = arith.addf %add3A_734, %slice3A_730 : vector<512x128xf32>
    %broadcast_in_dim3A_736 = vector.shape_cast %get3A_732 : vector<128xf32> to vector<1x128xf32>
    %add3A_737 = vector.broadcast %broadcast_in_dim3A_736 : vector<1x128xf32> to vector<512x128xf32>
    %add3A_738 = arith.addf %add3A_735, %add3A_737 : vector<512x128xf32>
    %slice3A_739 = vector.extract_strided_slice %dot_general3A_11 {offsets = [0, 6784], sizes = [512, 128], strides = [1, 1]} : vector<512x8192xf32> to vector<512x128xf32>
    %get3A_740 = arith.constant 6784 : index
    %get3A_741 = vector.load %arg5[%get3A_740] : memref<8192xf32, #tpu.memory_space<vmem>>, vector<128xf32>
    %broadcast_in_dim3A_742 = vector.shape_cast %reduce_sum3A_7 : vector<512xf32> to vector<512x1xf32>
    %add3A_743 = vector.broadcast %broadcast_in_dim3A_742 : vector<512x1xf32> to vector<512x128xf32>
    %add3A_744 = arith.addf %add3A_743, %slice3A_739 : vector<512x128xf32>
    %broadcast_in_dim3A_745 = vector.shape_cast %get3A_741 : vector<128xf32> to vector<1x128xf32>
    %add3A_746 = vector.broadcast %broadcast_in_dim3A_745 : vector<1x128xf32> to vector<512x128xf32>
    %add3A_747 = arith.addf %add3A_744, %add3A_746 : vector<512x128xf32>
    %lt3A_748 = arith.cmpf olt, %add3A_747, %add3A_738 : vector<512x128xf32>
    %min3A_749 = arith.minimumf %add3A_738, %add3A_747 : vector<512x128xf32>
    %jit3A_750 = arith.constant 53 : i32
    %jit3A_751 = arith.constant 52 : i32
    %broadcast_in_dim3A_752 = vector.broadcast %jit3A_750 : i32 to vector<512x128xi32>
    %broadcast_in_dim3A_753 = vector.broadcast %jit3A_751 : i32 to vector<512x128xi32>
    %select_n3A_754 = arith.select %lt3A_748, %broadcast_in_dim3A_752, %broadcast_in_dim3A_753 : vector<512x128xi1>, vector<512x128xi32>
    %lt3A_755 = arith.cmpf olt, %min3A_749, %min3A_729 : vector<512x128xf32>
    %select_n3A_756 = arith.select %lt3A_755, %select_n3A_754, %select_n3A_728 : vector<512x128xi1>, vector<512x128xi32>
    %min3A_757 = arith.minimumf %min3A_749, %min3A_729 : vector<512x128xf32>
    %slice3A_758 = vector.extract_strided_slice %dot_general3A_11 {offsets = [0, 6912], sizes = [512, 128], strides = [1, 1]} : vector<512x8192xf32> to vector<512x128xf32>
    %get3A_759 = arith.constant 6912 : index
    %get3A_760 = vector.load %arg5[%get3A_759] : memref<8192xf32, #tpu.memory_space<vmem>>, vector<128xf32>
    %broadcast_in_dim3A_761 = vector.shape_cast %reduce_sum3A_7 : vector<512xf32> to vector<512x1xf32>
    %add3A_762 = vector.broadcast %broadcast_in_dim3A_761 : vector<512x1xf32> to vector<512x128xf32>
    %add3A_763 = arith.addf %add3A_762, %slice3A_758 : vector<512x128xf32>
    %broadcast_in_dim3A_764 = vector.shape_cast %get3A_760 : vector<128xf32> to vector<1x128xf32>
    %add3A_765 = vector.broadcast %broadcast_in_dim3A_764 : vector<1x128xf32> to vector<512x128xf32>
    %add3A_766 = arith.addf %add3A_763, %add3A_765 : vector<512x128xf32>
    %slice3A_767 = vector.extract_strided_slice %dot_general3A_11 {offsets = [0, 7040], sizes = [512, 128], strides = [1, 1]} : vector<512x8192xf32> to vector<512x128xf32>
    %get3A_768 = arith.constant 7040 : index
    %get3A_769 = vector.load %arg5[%get3A_768] : memref<8192xf32, #tpu.memory_space<vmem>>, vector<128xf32>
    %broadcast_in_dim3A_770 = vector.shape_cast %reduce_sum3A_7 : vector<512xf32> to vector<512x1xf32>
    %add3A_771 = vector.broadcast %broadcast_in_dim3A_770 : vector<512x1xf32> to vector<512x128xf32>
    %add3A_772 = arith.addf %add3A_771, %slice3A_767 : vector<512x128xf32>
    %broadcast_in_dim3A_773 = vector.shape_cast %get3A_769 : vector<128xf32> to vector<1x128xf32>
    %add3A_774 = vector.broadcast %broadcast_in_dim3A_773 : vector<1x128xf32> to vector<512x128xf32>
    %add3A_775 = arith.addf %add3A_772, %add3A_774 : vector<512x128xf32>
    %lt3A_776 = arith.cmpf olt, %add3A_775, %add3A_766 : vector<512x128xf32>
    %min3A_777 = arith.minimumf %add3A_766, %add3A_775 : vector<512x128xf32>
    %jit3A_778 = arith.constant 55 : i32
    %jit3A_779 = arith.constant 54 : i32
    %broadcast_in_dim3A_780 = vector.broadcast %jit3A_778 : i32 to vector<512x128xi32>
    %broadcast_in_dim3A_781 = vector.broadcast %jit3A_779 : i32 to vector<512x128xi32>
    %select_n3A_782 = arith.select %lt3A_776, %broadcast_in_dim3A_780, %broadcast_in_dim3A_781 : vector<512x128xi1>, vector<512x128xi32>
    %lt3A_783 = arith.cmpf olt, %min3A_777, %min3A_757 : vector<512x128xf32>
    %select_n3A_784 = arith.select %lt3A_783, %select_n3A_782, %select_n3A_756 : vector<512x128xi1>, vector<512x128xi32>
    %min3A_785 = arith.minimumf %min3A_777, %min3A_757 : vector<512x128xf32>
    %slice3A_786 = vector.extract_strided_slice %dot_general3A_11 {offsets = [0, 7168], sizes = [512, 128], strides = [1, 1]} : vector<512x8192xf32> to vector<512x128xf32>
    %get3A_787 = arith.constant 7168 : index
    %get3A_788 = vector.load %arg5[%get3A_787] : memref<8192xf32, #tpu.memory_space<vmem>>, vector<128xf32>
    %broadcast_in_dim3A_789 = vector.shape_cast %reduce_sum3A_7 : vector<512xf32> to vector<512x1xf32>
    %add3A_790 = vector.broadcast %broadcast_in_dim3A_789 : vector<512x1xf32> to vector<512x128xf32>
    %add3A_791 = arith.addf %add3A_790, %slice3A_786 : vector<512x128xf32>
    %broadcast_in_dim3A_792 = vector.shape_cast %get3A_788 : vector<128xf32> to vector<1x128xf32>
    %add3A_793 = vector.broadcast %broadcast_in_dim3A_792 : vector<1x128xf32> to vector<512x128xf32>
    %add3A_794 = arith.addf %add3A_791, %add3A_793 : vector<512x128xf32>
    %slice3A_795 = vector.extract_strided_slice %dot_general3A_11 {offsets = [0, 7296], sizes = [512, 128], strides = [1, 1]} : vector<512x8192xf32> to vector<512x128xf32>
    %get3A_796 = arith.constant 7296 : index
    %get3A_797 = vector.load %arg5[%get3A_796] : memref<8192xf32, #tpu.memory_space<vmem>>, vector<128xf32>
    %broadcast_in_dim3A_798 = vector.shape_cast %reduce_sum3A_7 : vector<512xf32> to vector<512x1xf32>
    %add3A_799 = vector.broadcast %broadcast_in_dim3A_798 : vector<512x1xf32> to vector<512x128xf32>
    %add3A_800 = arith.addf %add3A_799, %slice3A_795 : vector<512x128xf32>
    %broadcast_in_dim3A_801 = vector.shape_cast %get3A_797 : vector<128xf32> to vector<1x128xf32>
    %add3A_802 = vector.broadcast %broadcast_in_dim3A_801 : vector<1x128xf32> to vector<512x128xf32>
    %add3A_803 = arith.addf %add3A_800, %add3A_802 : vector<512x128xf32>
    %lt3A_804 = arith.cmpf olt, %add3A_803, %add3A_794 : vector<512x128xf32>
    %min3A_805 = arith.minimumf %add3A_794, %add3A_803 : vector<512x128xf32>
    %jit3A_806 = arith.constant 57 : i32
    %jit3A_807 = arith.constant 56 : i32
    %broadcast_in_dim3A_808 = vector.broadcast %jit3A_806 : i32 to vector<512x128xi32>
    %broadcast_in_dim3A_809 = vector.broadcast %jit3A_807 : i32 to vector<512x128xi32>
    %select_n3A_810 = arith.select %lt3A_804, %broadcast_in_dim3A_808, %broadcast_in_dim3A_809 : vector<512x128xi1>, vector<512x128xi32>
    %lt3A_811 = arith.cmpf olt, %min3A_805, %min3A_785 : vector<512x128xf32>
    %select_n3A_812 = arith.select %lt3A_811, %select_n3A_810, %select_n3A_784 : vector<512x128xi1>, vector<512x128xi32>
    %min3A_813 = arith.minimumf %min3A_805, %min3A_785 : vector<512x128xf32>
    %slice3A_814 = vector.extract_strided_slice %dot_general3A_11 {offsets = [0, 7424], sizes = [512, 128], strides = [1, 1]} : vector<512x8192xf32> to vector<512x128xf32>
    %get3A_815 = arith.constant 7424 : index
    %get3A_816 = vector.load %arg5[%get3A_815] : memref<8192xf32, #tpu.memory_space<vmem>>, vector<128xf32>
    %broadcast_in_dim3A_817 = vector.shape_cast %reduce_sum3A_7 : vector<512xf32> to vector<512x1xf32>
    %add3A_818 = vector.broadcast %broadcast_in_dim3A_817 : vector<512x1xf32> to vector<512x128xf32>
    %add3A_819 = arith.addf %add3A_818, %slice3A_814 : vector<512x128xf32>
    %broadcast_in_dim3A_820 = vector.shape_cast %get3A_816 : vector<128xf32> to vector<1x128xf32>
    %add3A_821 = vector.broadcast %broadcast_in_dim3A_820 : vector<1x128xf32> to vector<512x128xf32>
    %add3A_822 = arith.addf %add3A_819, %add3A_821 : vector<512x128xf32>
    %slice3A_823 = vector.extract_strided_slice %dot_general3A_11 {offsets = [0, 7552], sizes = [512, 128], strides = [1, 1]} : vector<512x8192xf32> to vector<512x128xf32>
    %get3A_824 = arith.constant 7552 : index
    %get3A_825 = vector.load %arg5[%get3A_824] : memref<8192xf32, #tpu.memory_space<vmem>>, vector<128xf32>
    %broadcast_in_dim3A_826 = vector.shape_cast %reduce_sum3A_7 : vector<512xf32> to vector<512x1xf32>
    %add3A_827 = vector.broadcast %broadcast_in_dim3A_826 : vector<512x1xf32> to vector<512x128xf32>
    %add3A_828 = arith.addf %add3A_827, %slice3A_823 : vector<512x128xf32>
    %broadcast_in_dim3A_829 = vector.shape_cast %get3A_825 : vector<128xf32> to vector<1x128xf32>
    %add3A_830 = vector.broadcast %broadcast_in_dim3A_829 : vector<1x128xf32> to vector<512x128xf32>
    %add3A_831 = arith.addf %add3A_828, %add3A_830 : vector<512x128xf32>
    %lt3A_832 = arith.cmpf olt, %add3A_831, %add3A_822 : vector<512x128xf32>
    %min3A_833 = arith.minimumf %add3A_822, %add3A_831 : vector<512x128xf32>
    %jit3A_834 = arith.constant 59 : i32
    %jit3A_835 = arith.constant 58 : i32
    %broadcast_in_dim3A_836 = vector.broadcast %jit3A_834 : i32 to vector<512x128xi32>
    %broadcast_in_dim3A_837 = vector.broadcast %jit3A_835 : i32 to vector<512x128xi32>
    %select_n3A_838 = arith.select %lt3A_832, %broadcast_in_dim3A_836, %broadcast_in_dim3A_837 : vector<512x128xi1>, vector<512x128xi32>
    %lt3A_839 = arith.cmpf olt, %min3A_833, %min3A_813 : vector<512x128xf32>
    %select_n3A_840 = arith.select %lt3A_839, %select_n3A_838, %select_n3A_812 : vector<512x128xi1>, vector<512x128xi32>
    %min3A_841 = arith.minimumf %min3A_833, %min3A_813 : vector<512x128xf32>
    %slice3A_842 = vector.extract_strided_slice %dot_general3A_11 {offsets = [0, 7680], sizes = [512, 128], strides = [1, 1]} : vector<512x8192xf32> to vector<512x128xf32>
    %get3A_843 = arith.constant 7680 : index
    %get3A_844 = vector.load %arg5[%get3A_843] : memref<8192xf32, #tpu.memory_space<vmem>>, vector<128xf32>
    %broadcast_in_dim3A_845 = vector.shape_cast %reduce_sum3A_7 : vector<512xf32> to vector<512x1xf32>
    %add3A_846 = vector.broadcast %broadcast_in_dim3A_845 : vector<512x1xf32> to vector<512x128xf32>
    %add3A_847 = arith.addf %add3A_846, %slice3A_842 : vector<512x128xf32>
    %broadcast_in_dim3A_848 = vector.shape_cast %get3A_844 : vector<128xf32> to vector<1x128xf32>
    %add3A_849 = vector.broadcast %broadcast_in_dim3A_848 : vector<1x128xf32> to vector<512x128xf32>
    %add3A_850 = arith.addf %add3A_847, %add3A_849 : vector<512x128xf32>
    %slice3A_851 = vector.extract_strided_slice %dot_general3A_11 {offsets = [0, 7808], sizes = [512, 128], strides = [1, 1]} : vector<512x8192xf32> to vector<512x128xf32>
    %get3A_852 = arith.constant 7808 : index
    %get3A_853 = vector.load %arg5[%get3A_852] : memref<8192xf32, #tpu.memory_space<vmem>>, vector<128xf32>
    %broadcast_in_dim3A_854 = vector.shape_cast %reduce_sum3A_7 : vector<512xf32> to vector<512x1xf32>
    %add3A_855 = vector.broadcast %broadcast_in_dim3A_854 : vector<512x1xf32> to vector<512x128xf32>
    %add3A_856 = arith.addf %add3A_855, %slice3A_851 : vector<512x128xf32>
    %broadcast_in_dim3A_857 = vector.shape_cast %get3A_853 : vector<128xf32> to vector<1x128xf32>
    %add3A_858 = vector.broadcast %broadcast_in_dim3A_857 : vector<1x128xf32> to vector<512x128xf32>
    %add3A_859 = arith.addf %add3A_856, %add3A_858 : vector<512x128xf32>
    %lt3A_860 = arith.cmpf olt, %add3A_859, %add3A_850 : vector<512x128xf32>
    %min3A_861 = arith.minimumf %add3A_850, %add3A_859 : vector<512x128xf32>
    %jit3A_862 = arith.constant 61 : i32
    %jit3A_863 = arith.constant 60 : i32
    %broadcast_in_dim3A_864 = vector.broadcast %jit3A_862 : i32 to vector<512x128xi32>
    %broadcast_in_dim3A_865 = vector.broadcast %jit3A_863 : i32 to vector<512x128xi32>
    %select_n3A_866 = arith.select %lt3A_860, %broadcast_in_dim3A_864, %broadcast_in_dim3A_865 : vector<512x128xi1>, vector<512x128xi32>
    %lt3A_867 = arith.cmpf olt, %min3A_861, %min3A_841 : vector<512x128xf32>
    %select_n3A_868 = arith.select %lt3A_867, %select_n3A_866, %select_n3A_840 : vector<512x128xi1>, vector<512x128xi32>
    %min3A_869 = arith.minimumf %min3A_861, %min3A_841 : vector<512x128xf32>
    %slice3A_870 = vector.extract_strided_slice %dot_general3A_11 {offsets = [0, 7936], sizes = [512, 128], strides = [1, 1]} : vector<512x8192xf32> to vector<512x128xf32>
    %get3A_871 = arith.constant 7936 : index
    %get3A_872 = vector.load %arg5[%get3A_871] : memref<8192xf32, #tpu.memory_space<vmem>>, vector<128xf32>
    %broadcast_in_dim3A_873 = vector.shape_cast %reduce_sum3A_7 : vector<512xf32> to vector<512x1xf32>
    %add3A_874 = vector.broadcast %broadcast_in_dim3A_873 : vector<512x1xf32> to vector<512x128xf32>
    %add3A_875 = arith.addf %add3A_874, %slice3A_870 : vector<512x128xf32>
    %broadcast_in_dim3A_876 = vector.shape_cast %get3A_872 : vector<128xf32> to vector<1x128xf32>
    %add3A_877 = vector.broadcast %broadcast_in_dim3A_876 : vector<1x128xf32> to vector<512x128xf32>
    %add3A_878 = arith.addf %add3A_875, %add3A_877 : vector<512x128xf32>
    %slice3A_879 = vector.extract_strided_slice %dot_general3A_11 {offsets = [0, 8064], sizes = [512, 128], strides = [1, 1]} : vector<512x8192xf32> to vector<512x128xf32>
    %get3A_880 = arith.constant 8064 : index
    %get3A_881 = vector.load %arg5[%get3A_880] : memref<8192xf32, #tpu.memory_space<vmem>>, vector<128xf32>
    %broadcast_in_dim3A_882 = vector.shape_cast %reduce_sum3A_7 : vector<512xf32> to vector<512x1xf32>
    %add3A_883 = vector.broadcast %broadcast_in_dim3A_882 : vector<512x1xf32> to vector<512x128xf32>
    %add3A_884 = arith.addf %add3A_883, %slice3A_879 : vector<512x128xf32>
    %broadcast_in_dim3A_885 = vector.shape_cast %get3A_881 : vector<128xf32> to vector<1x128xf32>
    %add3A_886 = vector.broadcast %broadcast_in_dim3A_885 : vector<1x128xf32> to vector<512x128xf32>
    %add3A_887 = arith.addf %add3A_884, %add3A_886 : vector<512x128xf32>
    %lt3A_888 = arith.cmpf olt, %add3A_887, %add3A_878 : vector<512x128xf32>
    %min3A_889 = arith.minimumf %add3A_878, %add3A_887 : vector<512x128xf32>
    %jit3A_890 = arith.constant 63 : i32
    %jit3A_891 = arith.constant 62 : i32
    %broadcast_in_dim3A_892 = vector.broadcast %jit3A_890 : i32 to vector<512x128xi32>
    %broadcast_in_dim3A_893 = vector.broadcast %jit3A_891 : i32 to vector<512x128xi32>
    %select_n3A_894 = arith.select %lt3A_888, %broadcast_in_dim3A_892, %broadcast_in_dim3A_893 : vector<512x128xi1>, vector<512x128xi32>
    %lt3A_895 = arith.cmpf olt, %min3A_889, %min3A_869 : vector<512x128xf32>
    %select_n3A_896 = arith.select %lt3A_895, %select_n3A_894, %select_n3A_868 : vector<512x128xi1>, vector<512x128xi32>
    %min3A_897 = arith.minimumf %min3A_889, %min3A_869 : vector<512x128xf32>
    %reduce_min3A = arith.constant dense<0x7F800000> : vector<512xf32>
    %reduce_min3A_898 = vector.multi_reduction <minimumf>, %min3A_897, %reduce_min3A [1] : vector<512x128xf32> to vector<512xf32>
    %iota3A = tpu.iota {dimensions = array<i32: 1>} : vector<512x128xi32>
    %mul3A_899 = arith.constant 128 : i32
    %mul3A_900 = vector.broadcast %mul3A_899 : i32 to vector<512x128xi32>
    %mul3A_901 = arith.muli %select_n3A_896, %mul3A_900 : vector<512x128xi32>
    %add3A_902 = arith.addi %mul3A_901, %iota3A : vector<512x128xi32>
    %broadcast_in_dim3A_903 = vector.shape_cast %reduce_min3A_898 : vector<512xf32> to vector<512x1xf32>
    %eq3A_904 = vector.broadcast %broadcast_in_dim3A_903 : vector<512x1xf32> to vector<512x128xf32>
    %eq3A_905 = arith.cmpf oeq, %min3A_897, %eq3A_904 : vector<512x128xf32>
    %jit3A_906 = arith.constant 8192 : i32
    %broadcast_in_dim3A_907 = vector.broadcast %jit3A_906 : i32 to vector<512x128xi32>
    %select_n3A_908 = arith.select %eq3A_905, %add3A_902, %broadcast_in_dim3A_907 : vector<512x128xi1>, vector<512x128xi32>
    %reduce_min3A_909 = arith.constant dense<2147483647> : vector<512xi32>
    %reduce_min3A_910 = vector.multi_reduction <minsi>, %select_n3A_908, %reduce_min3A_909 [1] : vector<512x128xi32> to vector<512xi32>
    %swap3A = arith.constant 0 : index
    %swap3A_911 = arith.constant 0 : index
    %swap3A_912 = arith.constant 0 : index
    %swap3A_913 = vector.load %arg3[%swap3A, %swap3A_911, %swap3A_912] : memref<1x1x512xi32, #tpu.memory_space<vmem>>, vector<1x1x512xi32>
    %swap3A_914 = vector.shape_cast %swap3A_913 : vector<1x1x512xi32> to vector<512xi32>
    %swap3A_915 = vector.shape_cast %reduce_min3A_910 : vector<512xi32> to vector<1x1x512xi32>
    tpu.vector_store %arg3[%swap3A, %swap3A_911, %swap3A_912], %swap3A_915 {strides = array<i32>} : memref<1x1x512xi32, #tpu.memory_space<vmem>>, vector<1x1x512xi32>,
    %reduce_sum3A_916 = vector.shape_cast %reduce_min3A_898 : vector<512xf32> to vector<1x512xf32>
    %reduce_sum3A_917 = arith.constant dense<0.000000e+00> : vector<1xf32>
    %reduce_sum3A_918 = vector.multi_reduction <add>, %reduce_sum3A_916, %reduce_sum3A_917 [1] : vector<1x512xf32> to vector<1xf32>
    %reduce_sum3A_919 = vector.shape_cast %reduce_sum3A_918 : vector<1xf32> to vector<1x1xf32>
    %reduce_sum3A_920 = vector.extract %reduce_sum3A_919[0, 0] : f32 from vector<1x1xf32>
    %reshape3A = vector.broadcast %reduce_sum3A_920 : f32 to vector<1x1xf32>
    %eq3A_921 = arith.constant 0 : i32
    %eq3A_922 = arith.cmpi eq, %arg0, %eq3A_921 : i32
    %convert_element_type3A_923 = arith.extui %eq3A_922 : i1 to i32
    %cond3A_924 = arith.constant 0 : i32
    %cond3A_925 = arith.cmpi ne, %convert_element_type3A_923, %cond3A_924 : i32
    scf.if %cond3A_925 {
      %broadcast_in_dim3A_933 = arith.constant 0.000000e+00 : f32
      %broadcast_in_dim3A_934 = vector.broadcast %broadcast_in_dim3A_933 : f32 to vector<1x1xf32>
      %swap3A_935 = arith.constant 0 : index
      %swap3A_936 = arith.constant 0 : index
      %swap3A_937 = vector.load %arg4[%swap3A_935, %swap3A_936] : memref<1x1xf32, #tpu.memory_space<vmem>>, vector<1x1xf32>
      tpu.vector_store %arg4[%swap3A_935, %swap3A_936], %broadcast_in_dim3A_934 {strides = array<i32>} : memref<1x1xf32, #tpu.memory_space<vmem>>, vector<1x1xf32>,
    } else {
    }
    %get3A_926 = arith.constant 0 : index
    %get3A_927 = arith.constant 0 : index
    %get3A_928 = vector.load %arg4[%get3A_926, %get3A_927] : memref<1x1xf32, #tpu.memory_space<vmem>>, vector<1x1xf32>
    %add3A_929 = arith.addf %get3A_928, %reshape3A : vector<1x1xf32>
    %swap3A_930 = arith.constant 0 : index
    %swap3A_931 = arith.constant 0 : index
    %swap3A_932 = vector.load %arg4[%swap3A_930, %swap3A_931] : memref<1x1xf32, #tpu.memory_space<vmem>>, vector<1x1xf32>
    tpu.vector_store %arg4[%swap3A_930, %swap3A_931], %add3A_929 {strides = array<i32>} : memref<1x1xf32, #tpu.memory_space<vmem>>, vector<1x1xf32>,
    return
  }
  func.func @transform_0(%arg0: i32) -> (i32, i32) {
    %c0_i32 = arith.constant 0 : i32
    %c0_i32_0 = arith.constant 0 : i32
    return %arg0, %c0_i32 : i32, i32
  }
  func.func @transform_1(%arg0: i32) -> (i32, i32) {
    %c0_i32 = arith.constant 0 : i32
    %c0_i32_0 = arith.constant 0 : i32
    %c0_i32_1 = arith.constant 0 : i32
    return %c0_i32, %c0_i32_0 : i32, i32
  }
  func.func @transform_2(%arg0: i32) -> (i32, i32, i32) {
    %c0_i32 = arith.constant 0 : i32
    %c0_i32_0 = arith.constant 0 : i32
    %c0_i32_1 = arith.constant 0 : i32
    return %arg0, %c0_i32, %c0_i32_0 : i32, i32, i32
  }
  func.func @transform_3(%arg0: i32) -> (i32, i32) {
    %c0_i32 = arith.constant 0 : i32
    %c0_i32_0 = arith.constant 0 : i32
    %c0_i32_1 = arith.constant 0 : i32
    return %c0_i32, %c0_i32_0 : i32, i32
  }
}

</mosaic_0001>

<sc_bundles>
// kernel: kernel.4.cloned.1.call-start
scs
__scs_entry_jumppad:
0x0: {  	(pc) =	sbr.rel $0x88, $3  }
0x1: {  	(tag) =	ssettag $0x0;
	lr =	simm.s32 $0x1  }
0x2: {  	[smem:$0x3F9F] =	sst lr;
	_ =	strace $0xD0000000  }
0x3: {  	_ = 	snop  }
0x4: {  	_ = 	snop  }
0x5: {  	_ = 	snop  }
0x6: {  	_ = 	snop  }
0x7: {  	_ = 	snop  }
__scs_overlays_trampoline_lowered:
0x8: {  	[smem:$0x3FAE] =	sst s0  }
0x9: {  	[smem:$0x3FAF] =	sst s1  }
0xa: {  	[smem:$0x3FB0] =	sst s2  }
0xb: {  	[smem:$0x3FB1] =	sst s3  }
0xc: {  	[smem:$0x3FB2] =	sst s4  }
0xd: {  	[smem:$0x3FB3] =	sst s5  }
0xe: {  	[smem:$0x3FB4] =	sst s6  }
0xf: {  	[smem:$0x3FB5] =	sst s7  }
0x10: {  	[smem:$0x3FB6] =	sst s8  }
0x11: {  	[smem:$0x3FB7] =	sst s9;
	s0 =	simm.s32 @!p0 $0x0  }
0x12: {  	s1 =	sld [smem:$0x3F9D];
	s0 =	simm.s32 @p0 $0x1  }
0x13: {  	[smem:$0x3FB8] =	sst s0;
	s0 =	simm.s32 @!p1 $0x0  }
0x14: {  	s2 =	sld [smem:$0x3F9C];
	s0 =	simm.s32 @p1 $0x1  }
0x15: {  	[smem:$0x3FB9] =	sst s0;
	s0 =	simm.s32 @!p2 $0x0  }
0x16: {  	s3 =	sld [smem:$0x3FDB];
	s0 =	simm.s32 @p2 $0x1  }
0x17: {  	s4 =	simm.s32 $0x1BF5;
	[smem:$0x3FBB] =	sst s0  }
0x18: {  	s0 =	sld [smem:$0x3F9E];
	_ =	swait.ge [sflag:s4], $0x0  }
0x19: {  	s7 =	sld [smem:$0x3F9F]  }
0x1a: {  	s8 =	sadd.s32 $0xFFFFE003, lr  }
0x1b: {  	s9 =	sadd.s32 $0xFFFFFEF7, lr;
	s5 =	simm.s32 $0xFFFFFFFF;
	p2 =	slt.u32 s8, $0xFFFFF086  }
0x1c: {  	p1 =	slt.u32 s9, $0xF7A;
	s5 =	simm.s32 @!p2 $0x0  }
0x1d: {  	s5 =	simm.s32 @p1 $0x1;
	p0 =	seq.s32 s7, s2  }
0x1e: {  	s7 =	smul.u32 @!p0 $0xF7A, s2;
	p2 =	seq.s32 @!p0 s5, $0x0  }
0x1f: {  	s9 =	smul.u32 $0xF7A, s1;
	s8 =	simm.s32 @!p0 $0x1BF5;
	p2 =	por !p2, p0  }
0x20: {  	[sflag:s8] =	ssyncset.s32 @!p0 $0xFFFFF086;
	s6 =	sadd.s32 @!p0 s3, s7;
	s7 =	simm.s32 @!p0 $0x108  }
0x21: {  	s3 =	sadd.s32 s3, s9;
	s6 =	sadd.s32 @!p0 $0x88, s6;
	s7 =	simm.s32 @p2 $0x1082  }
0x22: {  	[simem:s7], [sflag:s8] =	dma.local @!p0 [hbm:s6], $0xF7A  }
0x23: {  	s9 =	sor.u32 $0xD0000000, s2;
	s6 =	simm.s32 $0x108;
	_ =	swait.ge @!p0 [sflag:s8], $0x0  }
0x24: {  	s3 =	sadd.s32 $0x88, s3;
	s6 =	simm.s32 @!p1 $0x1082;
	[sflag:s4] =	ssyncset.s32 $0xFFFFF086  }
0x25: {  	[simem:s6], [sflag:s4] =	dma.local [hbm:s3], $0xF7A  }
0x26: {  	[smem:$0x3F9F] =	sst s1;
	(tag) =	ssettag s2;
	_ =	strace s9  }
0x27: {  	s1 =	sld [smem:$0x3FAF]  }
0x28: {  	s2 =	sld [smem:$0x3FB0]  }
0x29: {  	s4 =	sld [smem:$0x3FB2]  }
0x2a: {  	p0 =	seq.s32 s5, $0x0;
	s5 =	sld [smem:$0x3FB3]  }
0x2b: {  	s6 =	sld [smem:$0x3FB4]  }
0x2c: {  	s7 =	sld [smem:$0x3FB5]  }
0x2d: {  	s3 =	simm.s32 $0x108;
	s8 =	sld [smem:$0x3FB6]  }
0x2e: {  	s3 =	simm.s32 @!p0 $0x1082;
	s9 =	sld [smem:$0x3FB7]  }
0x2f: {  	lr =	sadd.s32 s0, s3;
	s0 =	sld [smem:$0x3FAE]  }
0x30: {  	s3 =	sld [smem:$0x3FB1]  }
0x31: {  	[smem:$0x3FBA] =	sst s10  }
0x32: {  	s10 =	sld [smem:$0x3FB8];
	_ =	sdelay $0x3  }
0x33: {  	p0 =	seq.s32 s10, $0x1;
	s10 =	sld [smem:$0x3FBA];
	_ =	sdelay $0x3  }
0x34: {  	[smem:$0x3FBA] =	sst s10  }
0x35: {  	s10 =	sld [smem:$0x3FB9];
	_ =	sdelay $0x3  }
0x36: {  	p1 =	seq.s32 s10, $0x1;
	s10 =	sld [smem:$0x3FBA];
	_ =	sdelay $0x3  }
0x37: {  	[smem:$0x3FBA] =	sst s10  }
0x38: {  	s10 =	sld [smem:$0x3FBB]  }
0x39: {  	_ = 	snop;
	(pc) =	sbr.ind lr, $3  }
0x3a: {  	_ = 	snop  }
0x3b: {  	_ = 	snop  }
0x3c: {  	p2 =	seq.s32 s10, $0x1;
	s10 =	sld [smem:$0x3FBA]  }
0x3d: {  	_ =	shalt  }
0x3e: {  	_ =	shalt  }
0x3f: {  	_ =	shalt  }
0x40: {  	_ =	shalt  }
0x41: {  	_ =	shalt  }
0x42: {  	_ =	shalt  }
0x43: {  	_ =	shalt  }
0x44: {  	_ =	shalt  }
0x45: {  	_ =	shalt  }
0x46: {  	_ =	shalt  }
0x47: {  	_ =	shalt  }
0x48: {  	_ =	shalt  }
0x49: {  	_ =	shalt  }
0x4a: {  	_ =	shalt  }
0x4b: {  	_ =	shalt  }
0x4c: {  	_ =	shalt  }
0x4d: {  	_ =	shalt  }
0x4e: {  	_ =	shalt  }
0x4f: {  	_ =	shalt  }
0x50: {  	_ =	shalt  }
0x51: {  	_ =	shalt  }
0x52: {  	_ =	shalt  }
0x53: {  	_ =	shalt  }
0x54: {  	_ =	shalt  }
0x55: {  	_ =	shalt  }
0x56: {  	_ =	shalt  }
0x57: {  	_ =	shalt  }
0x58: {  	_ =	shalt  }
0x59: {  	_ =	shalt  }
0x5a: {  	_ =	shalt  }
0x5b: {  	_ =	shalt  }
0x5c: {  	_ =	shalt  }
0x5d: {  	_ =	shalt  }
0x5e: {  	_ =	shalt  }
0x5f: {  	_ =	shalt  }
0x60: {  	_ =	shalt  }
0x61: {  	_ =	shalt  }
0x62: {  	_ =	shalt  }
0x63: {  	_ =	shalt  }
0x64: {  	_ =	shalt  }
0x65: {  	_ =	shalt  }
0x66: {  	_ =	shalt  }
0x67: {  	_ =	shalt  }
0x68: {  	_ =	shalt  }
0x69: {  	_ =	shalt  }
0x6a: {  	_ =	shalt  }
0x6b: {  	_ =	shalt  }
0x6c: {  	_ =	shalt  }
0x6d: {  	_ =	shalt  }
0x6e: {  	_ =	shalt  }
0x6f: {  	_ =	shalt  }
0x70: {  	_ =	shalt  }
0x71: {  	_ =	shalt  }
0x72: {  	_ =	shalt  }
0x73: {  	_ =	shalt  }
0x74: {  	_ =	shalt  }
0x75: {  	_ =	shalt  }
0x76: {  	_ =	shalt  }
0x77: {  	_ =	shalt  }
0x78: {  	_ =	shalt  }
0x79: {  	_ =	shalt  }
0x7a: {  	_ =	shalt  }
0x7b: {  	_ =	shalt  }
0x7c: {  	_ =	shalt  }
0x7d: {  	_ =	shalt  }
0x7e: {  	_ =	shalt  }
0x7f: {  	_ =	shalt  }
0x80: {  	_ =	shalt  }
0x81: {  	_ =	shalt  }
0x82: {  	_ =	shalt  }
0x83: {  	_ =	shalt  }
0x84: {  	_ =	shalt  }
0x85: {  	_ =	shalt  }
0x86: {  	_ =	shalt  }
0x87: {  	_ =	shalt  }
.Lfunc_end0:
.L_simem_size_0:
called_computation_lowered:
.L_overlay_start_0:
0x88: {  	s2 =	sld [smem:$0x3FD9]  }
0x89: {  	s3 =	sld [smem:$0x3FFE];
	_ =	sdelay $0x1  }
0x8a: {  	s1 =	srdreg.scid  }
0x8b: {  	s0 =	sand.u32 $0x1, s1  }
0x8c: {  	s15 =	sshll.u32 s0, $0xA;
	s2 =	sadd.s32 s3, s2  }
0x8d: {  	s2 =	sadd.s32 s2, s15  }
0x8e: {  	[smem:$0x3FC6] =	sst s2  }
0x8f: {  	_ = 	snop  }
0x90: {  	s2 =	sld [smem:$0x3FD0];
	_ =	sdelay $0x2  }
0x91: {  	s4 =	simm.s32 $0xA;
	s5 =	simm.s32 $0x10;
	s16 =	sld [smem:$0x3FC8]  }
0x92: {  	[smem:s5], [sflag:s4] =	dma.local [hbm:s2], $0x1  }
0x93: {  	_ =	swait.eq [sflag:s4], $0x1  }
0x94: {  	[sflag:s4] =	ssyncset.done $0x0  }
0x95: {  	s17 =	sld [smem:$0x10];
	[sflag:s4] =	ssyncadd.s32 $0xFFFFFFFF  }
0x96: {  	s18 =	sld [smem:$0x11];
	(tm) =	ssettm $0x1  }
0x97: {  	s19 =	sld [smem:$0x3FFB];
	_ =	sdelay $0x3  }
0x98: {  	_ =	strace s19  }
0x99: {  	s5 =	sld [smem:$0x3FFC];
	_ =	sdelay $0x3  }
0x9a: {  	_ =	strace s5  }
0x9b: {  	s5 =	sld [smem:$0x3FFD];
	_ =	sdelay $0x3  }
0x9c: {  	_ =	strace s5  }
0x9d: {  	_ =	strace $0x8FFFFFFF  }
0x9e: {  	s20 =	sld [smem:$0x3FDB];
	_ =	sdelay $0x1  }
0x9f: {  	s6 =	simm.s32 $_scs_section_size  }
0xa0: {  	s7 =	simm.s32 $_size__tile_overlayer_lowered;
	s8 =	simm.s32 $_tile_overlayer_lowered  }
0xa1: {  	s23 =	simm.s32 $0x1BFF;
	s22 =	sshll.u32 s8, $0x1;
	s5 =	sadd.s32 s6, s20  }
0xa2: {  	s9 =	simm.s32 $0x0;
	s21 =	sshll.u32 s7, $0x1;
	s7 =	sadd.s32 s22, s5  }
0xa3: {  	[timem:s9], [sflag:s23] =	dma.local [hbm:s7], s21  }
0xa4: {  	_ =	swait.ge [sflag:s23], s21  }
0xa5: {  	s6 =	ssub.s32 $0x0, s21;
	[sflag:s23] =	ssyncset.done $0x0  }
0xa6: {  	[sflag:s23] =	ssyncadd.s32 s6;
	_ =	sdelay $0x1  }
0xa7: {  	s24 =	simm.s32 $0x1B8B  }
0xa8: {  	_ =	swait.ge [sflag:s24], $0x1  }
0xa9: {  	[sflag:s24] =	ssyncset.done $0x0  }
0xaa: {  	s25 =	simm.s32 $0x1B8E;
	[sflag:s24] =	ssyncadd.s32 $0xFFFFFFFF  }
0xab: {  	s26 =	simm.s32 $execute0_lowered;
	[smem:$0x3FD2] =	sst s25  }
0xac: {  	s6 =	sshll.u32 s26, $0x1;
	_ =	strace $0x80000046;
	[dreg:$0x1] =	wrdreg $0xFFFFFFFF  }
0xad: {  	s28 =	simm.s32 $_size_execute0_lowered;
	s5 =	sadd.s32 s5, s6;
	[dreg:$0x0] =	wrdreg $0x0  }
0xae: {  	s6 =	sshll.u32 s28, $0x1;
	[dreg:$0x2] =	wrdreg s5  }
0xaf: {  	[dreg:$0x3] =	wrdreg s6  }
0xb0: {  	[dreg:$0x4] =	wrdreg $0xC0  }
0xb1: {  	_ =	task [dreg:s9], $0x5FFFF  }
0xb2: {  	[dreg:$0x1] =	wrdreg $0xFFFFFFFF  }
0xb3: {  	[dreg:$0x0] =	wrdreg $0x60  }
0xb4: {  	[dreg:$0x2] =	wrdreg s16  }
0xb5: {  	[dreg:$0x3] =	wrdreg s18  }
0xb6: {  	[dreg:$0x4] =	wrdreg s17  }
0xb7: {  	[dreg:$0x5] =	wrdreg $0x9  }
0xb8: {  	_ =	task.clear_ibuf [dreg:s9], $0x6FFFF;
	_ =	strace $0x90000046  }
0xb9: {  	s29 =	simm.s32 $0x9;
	_ =	strace $0x8000004F  }
0xba: {  	_ =	swait.ge [sflag:s29], $0x1  }
0xbb: {  	[sflag:s29] =	ssyncadd.s32 $0xFFFFFFFF  }
0xbc: {  	_ =	strace $0x9000004F  }
0xbd: {  	_ =	sfence  }
0xbe: {  	s30 =	sld [smem:$0x0];
	_ =	sdelay $0x2  }
0xbf: {  	s31 =	sshll.u32 s1, $0xD;
	s1 =	sshrl.u32 s1, $0x2  }
0xc0: {  	s3 =	sand.u32 $0x4000, s31;
	s1 =	sadd.s32 s1, s30  }
0xc1: {  	s0 =	sor.u32 s3, s0;
	s1 =	sshll.u32 s1, $0x11  }
0xc2: {  	s0 =	sor.u32 s1, s0  }
0xc3: {  	s0 =	sadd.s32 $0x8F2B, s0  }
0xc4: {  	[sflag:s0] =	ssyncadd.remote.s32 $0x1  }
0xc5: {  	_ =	sfence.sel $0xFFFF  }
0xc6: {  	[dreg:$0x0] =	wrdreg $0xFFFFFFFF;
	(pc) =	sbr.abs _section_cstart, $3  }
0xc7: {  	[dreg:$0x1] =	wrdreg $0xFFFFFFFF  }
0xc8: {  	_ =	task.clear_ibuf [dreg:s9], $0x2FFFF;
	_ =	strace $0x9FFFFFFF  }
0xc9: {  	(tm) =	ssettm $0x7FFFFFFF  }
tec
execute0_lowered:
.L_overlay_start_1:
0x0: {  	(tag) =	ssettag $0x1  }
0x1: {  	s1 =	rddreg [dreg:$0x0]  }
0x2: {  	s2 =	rddreg [dreg:$0x1]  }
0x3: {  	s0 =	rddreg [dreg:$0x2];
	s3 =	srdreg.scid;
	s4 =	simm.s32 $0x0  }
0x4: {  	s8 =	simm.s32 $0x5;
	s9 =	simm.s32 $0x4;
	[dreg:$0x4] =	wrdreg s0  }
0x5: {  	s10 =	simm.s32 $0x0;
	s0 =	rddreg [dreg:$0x3];
	s5 =	sand.u32 $0x1, s3  }
0x6: {  	s3 =	stileid.u32;
	s6 =	ssub.s32 $0x2, s5;
	s5 =	sshll.u32 s5, $0x4  }
0x7: {  	v2 =	vlaneseq.u32;
	[smem:$0x7FF] =	sst s4;
	s7 =	sshrl.u32 s6, $0x1;
	s5 =	sor.u32 s3, s5  }
0x8: {  	vm0 =	vmmov $0xffff;
	v1 =	vshrl.u32 v2, $0x3;
	_ =	strace $0x80000047;
	s7 =	ssub.s32 s6, s7;
	s31 =	sshll.u32 s5, $0x6  }
0x9: {  	v0 =	vand.u32 $0x7, v2;
	v2 =	vor.u32 $0x8, v2;
	v1 =	vmul.u32 $0x8, v1;
	s5 =	sshll.u32 s5, $0x2;
	s6 =	sadd.s32 s2, s31;
	s7 =	smax.u32 s7, $0x1  }
.LBB2_1:
0xa: {  	_ =	strace $0x80000048;
	s11 =	simm.s32 $0x4  }
0xb: {  	s12 =	simm.s32 $0x0;
	s13 =	simm.s32 $0x0;
	s14 =	simm.s32 $0x0  }
0xc: {  	[tilespmem:s4], [sflag:$0x1] =	stream.linear.gather [hbm4b:s6+s4], $0x80, $0x200038;
	[tilespmem:$0x10100] =	vst v63  }
0xd: {  	s15 =	simm.s32 $0x0;
	s16 =	simm.s32 $0x1;
	_ =	strace $0x90000048  }
.LBB2_2:
0xe: {  	s17 =	smov.u32 s12;
	s12 =	sadd.s32 $0x1, s12  }
0xf: {  	p0 =	seq.s32 s12, $0x4  }
0x10: {  	s12 =	simm.s32 @p0 $0x0  }
0x11: {  	p6 =	sne.s32 s11, $0x1;
	p1 =	sne.s32 s17, s12  }
0x12: {  	p0 =	por !p6, !p1  }
0x13: {  	p0 =	por !p0, !p0  }
0x14: {  	s18 =	sadd.s32 @p0 s5, s12  }
0x15: {  	s19 =	sand.u32 @p0 $0x1, s16;
	s18 =	sshll.u32 @p0 s18, $0x4  }
0x16: {  	_ =	strace @p0 $0x80000049;
	s21 =	simm.s32 @p0 $0x0;
	s18 =	sand.u32 @p0 $0x1FFFFFF0, s18  }
0x17: {  	s20 =	sshll.u32 @p0 s19, $0x7;
	s19 =	sadd.s32 @p0 $0x1, s19;
	s18 =	sadd.s32 @p0 s2, s18  }
0x18: {  	[tilespmem:s20], [sflag:s19] =	stream.linear.gather @p0 [hbm4b:s18+s21], $0x80, $0x200038;
	[tilespmem:$0x10100] =	vst v63  }
0x19: {  	s24 =	sand.u32 $0x1, s15;
	_ =	strace @p0 $0x90000049  }
0x1a: {  	s18 =	sadd.s32 $0x1, s24;
	_ =	strace $0x8000004A  }
0x1b: {  	_ =	swait.ge [sflag:s18], $0x80  }
0x1c: {  	[sflag:s18] =	ssyncset.done $0x0  }
0x1d: {  	[sflag:s18] =	ssyncadd.s32 $0xFFFFFF80  }
0x1e: {  	s25 =	sshll.u32 s15, $0x7;
	_ =	strace $0x9000004A  }
0x1f: {  	s21 =	sand.u32 $0x80, s25;
	_ =	strace $0x8000004B  }
0x20: {  	v3 =	vld [tilespmem:s21+$0x0];
	_ =	sdelay $0x4  }
0x21: {  	v4 =	vshll.u32 v3, $0x1  }
0x22: {  	v3 =	vand.u32 $0x7, v3;
	v4 =	vand.u32 $0xFFFFFFF0, v4  }
0x23: {  	v3 =	vor.u32 v3, v4  }
0x24: {  	v4 =	vperm.xlane v3, v0;
	_ =	sdelay $0x1  }
0x25: {  	v3 =	vperm.xlane v3, v2;
	v4 =	vadd.s32 v1, v4;
	_ =	sdelay $0x1  }
0x26: {  	s18 =	sand.u32 $0x1, s14;
	v3 =	vadd.s32 v1, v3  }
0x27: {  	s20 =	sshll.u32 s18, $0xF  }
0x28: {  	s19 =	sor.u32 $0x100, s20  }
0x29: {  	[tilespmem:s19], [sflag:$0x5] =	stream.indirect_vreg.gather [hbm4b:s1+s4], $0x80, v4, vm0, $0x2000b8;
	[tilespmem:$0x10100] =	vst v63  }
0x2a: {  	s22 =	sor.u32 $0x900, s20  }
0x2b: {  	[tilespmem:s22], [sflag:$0x5] =	stream.indirect_vreg.gather [hbm4b:s1+s4], $0x80, v3, vm0, $0x2000b8;
	[tilespmem:$0x10100] =	vst v63  }
0x2c: {  	v3 =	vld [tilespmem:s21+$0x10];
	_ =	sdelay $0x4  }
0x2d: {  	v57 =	vshll.u32 v3, $0x1  }
0x2e: {  	v3 =	vand.u32 $0x7, v3;
	v4 =	vand.u32 $0xFFFFFFF0, v57  }
0x2f: {  	v3 =	vor.u32 v3, v4  }
0x30: {  	v4 =	vperm.xlane v3, v0;
	_ =	sdelay $0x1  }
0x31: {  	v3 =	vperm.xlane v3, v2;
	v4 =	vadd.s32 v1, v4;
	_ =	sdelay $0x1  }
0x32: {  	v3 =	vadd.s32 v1, v3;
	_ =	sdelay $0x1  }
0x33: {  	s26 =	sor.u32 $0x1100, s20  }
0x34: {  	[tilespmem:s26], [sflag:$0x5] =	stream.indirect_vreg.gather [hbm4b:s1+s4], $0x80, v4, vm0, $0x2000b8;
	[tilespmem:$0x10100] =	vst v63  }
0x35: {  	s28 =	sor.u32 $0x1900, s20  }
0x36: {  	[tilespmem:s28], [sflag:$0x5] =	stream.indirect_vreg.gather [hbm4b:s1+s4], $0x80, v3, vm0, $0x2000b8;
	[tilespmem:$0x10100] =	vst v63  }
0x37: {  	v3 =	vld [tilespmem:s21+$0x20];
	_ =	sdelay $0x4  }
0x38: {  	v58 =	vshll.u32 v3, $0x1  }
0x39: {  	v3 =	vand.u32 $0x7, v3;
	v4 =	vand.u32 $0xFFFFFFF0, v58  }
0x3a: {  	v3 =	vor.u32 v3, v4  }
0x3b: {  	v4 =	vperm.xlane v3, v0;
	_ =	sdelay $0x1  }
0x3c: {  	v3 =	vperm.xlane v3, v2;
	v4 =	vadd.s32 v1, v4;
	_ =	sdelay $0x1  }
0x3d: {  	v3 =	vadd.s32 v1, v3;
	_ =	sdelay $0x1  }
0x3e: {  	s29 =	sor.u32 $0x2100, s20  }
0x3f: {  	[tilespmem:s29], [sflag:$0x5] =	stream.indirect_vreg.gather [hbm4b:s1+s4], $0x80, v4, vm0, $0x2000b8;
	[tilespmem:$0x10100] =	vst v63  }
0x40: {  	s30 =	sor.u32 $0x2900, s20  }
0x41: {  	[tilespmem:s30], [sflag:$0x5] =	stream.indirect_vreg.gather [hbm4b:s1+s4], $0x80, v3, vm0, $0x2000b8;
	[tilespmem:$0x10100] =	vst v63  }
0x42: {  	v3 =	vld [tilespmem:s21+$0x30];
	_ =	sdelay $0x4  }
0x43: {  	v59 =	vshll.u32 v3, $0x1  }
0x44: {  	v3 =	vand.u32 $0x7, v3;
	v4 =	vand.u32 $0xFFFFFFF0, v59  }
0x45: {  	v3 =	vor.u32 v3, v4  }
0x46: {  	v4 =	vperm.xlane v3, v0;
	_ =	sdelay $0x1  }
0x47: {  	v3 =	vperm.xlane v3, v2;
	v4 =	vadd.s32 v1, v4;
	_ =	sdelay $0x1  }
0x48: {  	v3 =	vadd.s32 v1, v3;
	_ =	sdelay $0x1  }
0x49: {  	s31 =	sor.u32 $0x3100, s20  }
0x4a: {  	[tilespmem:s31], [sflag:$0x5] =	stream.indirect_vreg.gather [hbm4b:s1+s4], $0x80, v4, vm0, $0x2000b8;
	[tilespmem:$0x10100] =	vst v63  }
0x4b: {  	s23 =	sor.u32 $0x3900, s20  }
0x4c: {  	[tilespmem:s23], [sflag:$0x5] =	stream.indirect_vreg.gather [hbm4b:s1+s4], $0x80, v3, vm0, $0x2000b8;
	[tilespmem:$0x10100] =	vst v63  }
0x4d: {  	v3 =	vld [tilespmem:s21+$0x40];
	_ =	sdelay $0x4  }
0x4e: {  	v60 =	vshll.u32 v3, $0x1  }
0x4f: {  	v3 =	vand.u32 $0x7, v3;
	v4 =	vand.u32 $0xFFFFFFF0, v60  }
0x50: {  	v3 =	vor.u32 v3, v4  }
0x51: {  	v4 =	vperm.xlane v3, v0;
	_ =	sdelay $0x1  }
0x52: {  	v3 =	vperm.xlane v3, v2;
	v4 =	vadd.s32 v1, v4;
	_ =	sdelay $0x1  }
0x53: {  	v3 =	vadd.s32 v1, v3;
	_ =	sdelay $0x1  }
0x54: {  	s24 =	sor.u32 $0x4100, s20  }
0x55: {  	[tilespmem:s24], [sflag:$0x5] =	stream.indirect_vreg.gather [hbm4b:s1+s4], $0x80, v4, vm0, $0x2000b8;
	[tilespmem:$0x10100] =	vst v63  }
0x56: {  	s25 =	sor.u32 $0x4900, s20  }
0x57: {  	[tilespmem:s25], [sflag:$0x5] =	stream.indirect_vreg.gather [hbm4b:s1+s4], $0x80, v3, vm0, $0x2000b8;
	[tilespmem:$0x10100] =	vst v63  }
0x58: {  	v3 =	vld [tilespmem:s21+$0x50];
	_ =	sdelay $0x4  }
0x59: {  	v61 =	vshll.u32 v3, $0x1  }
0x5a: {  	v3 =	vand.u32 $0x7, v3;
	v4 =	vand.u32 $0xFFFFFFF0, v61  }
0x5b: {  	v3 =	vor.u32 v3, v4  }
0x5c: {  	v4 =	vperm.xlane v3, v0;
	_ =	sdelay $0x1  }
0x5d: {  	v3 =	vperm.xlane v3, v2;
	v4 =	vadd.s32 v1, v4;
	_ =	sdelay $0x1  }
0x5e: {  	v3 =	vadd.s32 v1, v3;
	_ =	sdelay $0x1  }
0x5f: {  	s26 =	sor.u32 $0x5100, s20  }
0x60: {  	[tilespmem:s26], [sflag:$0x5] =	stream.indirect_vreg.gather [hbm4b:s1+s4], $0x80, v4, vm0, $0x2000b8;
	[tilespmem:$0x10100] =	vst v63  }
0x61: {  	s28 =	sor.u32 $0x5900, s20  }
0x62: {  	[tilespmem:s28], [sflag:$0x5] =	stream.indirect_vreg.gather [hbm4b:s1+s4], $0x80, v3, vm0, $0x2000b8;
	[tilespmem:$0x10100] =	vst v63  }
0x63: {  	v3 =	vld [tilespmem:s21+$0x60];
	_ =	sdelay $0x4  }
0x64: {  	v62 =	vshll.u32 v3, $0x1  }
0x65: {  	v3 =	vand.u32 $0x7, v3;
	v4 =	vand.u32 $0xFFFFFFF0, v62  }
0x66: {  	v3 =	vor.u32 v3, v4  }
0x67: {  	v4 =	vperm.xlane v3, v0;
	_ =	sdelay $0x1  }
0x68: {  	v3 =	vperm.xlane v3, v2;
	v4 =	vadd.s32 v1, v4;
	_ =	sdelay $0x1  }
0x69: {  	v3 =	vadd.s32 v1, v3;
	_ =	sdelay $0x1  }
0x6a: {  	s29 =	sor.u32 $0x6100, s20  }
0x6b: {  	[tilespmem:s29], [sflag:$0x5] =	stream.indirect_vreg.gather [hbm4b:s1+s4], $0x80, v4, vm0, $0x2000b8;
	[tilespmem:$0x10100] =	vst v63  }
0x6c: {  	s30 =	sor.u32 $0x6900, s20  }
0x6d: {  	[tilespmem:s30], [sflag:$0x5] =	stream.indirect_vreg.gather [hbm4b:s1+s4], $0x80, v3, vm0, $0x2000b8;
	[tilespmem:$0x10100] =	vst v63  }
0x6e: {  	v3 =	vld [tilespmem:s21+$0x70];
	_ =	sdelay $0x4  }
0x6f: {  	v63 =	vshll.u32 v3, $0x1  }
0x70: {  	v3 =	vand.u32 $0x7, v3;
	v4 =	vand.u32 $0xFFFFFFF0, v63  }
0x71: {  	v3 =	vor.u32 v3, v4  }
0x72: {  	v4 =	vperm.xlane v3, v0;
	_ =	sdelay $0x1  }
0x73: {  	v3 =	vperm.xlane v3, v2;
	v4 =	vadd.s32 v1, v4;
	_ =	sdelay $0x1  }
0x74: {  	v3 =	vadd.s32 v1, v3;
	_ =	sdelay $0x1  }
0x75: {  	s31 =	sor.u32 $0x7100, s20  }
0x76: {  	[tilespmem:s31], [sflag:$0x5] =	stream.indirect_vreg.gather [hbm4b:s1+s4], $0x80, v4, vm0, $0x2000b8;
	[tilespmem:$0x10100] =	vst v63  }
0x77: {  	s20 =	sor.u32 $0x7900, s20  }
0x78: {  	[tilespmem:s20], [sflag:$0x5] =	stream.indirect_vreg.gather [hbm4b:s1+s4], $0x80, v3, vm0, $0x2000b8;
	[tilespmem:$0x10100] =	vst v63  }
0x79: {  	_ =	swait.ge [sflag:s8], $0x8000  }
0x7a: {  	p2 =	seq.s32 s11, $0x1;
	[sflag:s8] =	ssyncset.done $0x0  }
0x7b: {  	s17 =	sadd.s32 s5, s17;
	p1 =	por p2, p1;
	[sflag:s8] =	ssyncadd.s32 $0xFFFF8000  }
0x7c: {  	s17 =	sshll.u32 @p1 s17, $0xC;
	_ =	strace $0x9000004B  }
0x7d: {  	s17 =	sand.u32 @p1 $0x1FFFF000, s17;
	s21 =	simm.s32 $0x1;
	_ =	strace @p1 $0x8000004C  }
0x7e: {  	s18 =	sadd.s32 @p1 $0x3, s18;
	s21 =	simm.s32 @!p0 $0x0;
	s20 =	rddreg [dreg:$0x4]  }
0x7f: {  	p0 =	seq.s32 s11, $0x4;
	s17 =	sadd.s32 @p1 s20, s17;
	s20 =	simm.s32 @p1 $0x0  }
0x80: {  	[hbm4b:s17+s20] =	stream.linear.scatter @p1 [tilespmem:s19], [sflag:s18], $0x8000, $0x200038;
	[tilespmem:$0x10100] =	vst v63  }
0x81: {  	s17 =	simm.s32 $0x1;
	s19 =	simm.s32 $0x1;
	_ =	strace @p1 $0x9000004C  }
0x82: {  	s17 =	simm.s32 @!p1 $0x0;
	p1 =	sne.s32 s11, $0x4;
	s11 =	sadd.s32 $0xFFFFFFFF, s11  }
0x83: {  	s18 =	sand.u32 @!p0 $0x1, s13;
	s19 =	simm.s32 @!p1 $0x0;
	p1 =	sne.s32 s11, $0x0  }
.Ltmp0:
0x84: {  	s18 =	sadd.s32 @!p0 $0x3, s18;
	_ =	strace @!p0 $0x8000004D;
	(pc) =	sbr.rel @p1 .LBB2_2-.Ltmp0, $4  }
0x85: {  	_ =	swait.ge @!p0 [sflag:s18], $0x8000  }
0x86: {  	[sflag:s18] =	ssyncset.done @!p0 $0x0  }
0x87: {  	s16 =	sadd.s32 s21, s16;
	s14 =	sadd.s32 s17, s14;
	[sflag:s18] =	ssyncadd.s32 @!p0 $0xFFFF8000  }
0x88: {  	s15 =	sadd.s32 s17, s15;
	s13 =	sadd.s32 s19, s13;
	_ =	strace @!p0 $0x9000004D  }
0x89: {  	s10 =	sadd.s32 $0x1, s10  }
0x8a: {  	p0 =	sne.s32 s10, s7  }
.Ltmp1:
0x8b: {  	_ =	strace $0x8000004E;
	(pc) =	sbr.rel @p0 .LBB2_1-.Ltmp1, $4  }
0x8c: {  	_ =	swait.ge [sflag:s9], $0x8000  }
0x8d: {  	[sflag:s9] =	ssyncset.done $0x0  }
0x8e: {  	[sflag:s9] =	ssyncadd.s32 $0xFFFF8000  }
0x8f: {  	_ =	strace $0x9000004E  }
0x90: {  	_ =	sfence.sel $0x180000  }
0x91: {  	[bflag:$0x0] =	sbarrier.arrive $0xFFFF  }
0x92: {  	p0 =	sne.s32 s3, $0x0;
	_ =	strace $0x90000047  }
0x93: {  	s0 =	sadd.s32 @!p0 $0x100000, s0;
	[bflag:$0x2] =	sbarrier.arrive $0xFFFF  }
0x94: {  	[sflag:s0] =	ssyncadd.tile.s32 @!p0 $0x1;
	_ =	shalt  }
.Lfunc_end2:
_tile_overlayer_lowered:
.L_overlay_start_2:
0x95: {  	(tag) =	ssettag $0x2  }
0x96: {  	s0 =	rddreg [dreg:$0x0];
	s2 =	stileid.u32  }
0x97: {  	s1 =	rddreg [dreg:$0x1];
	p0 =	sne.s32 s2, $0x0  }
0x98: {  	s3 =	rddreg [dreg:$0x2];
	[bflag:$0x3] =	sbarrier.arrive $0xFFFF;
	s2 =	simm.s32 @!p0 $0x1C01  }
0x99: {  	[timem:s3], [sflag:s2] =	dma.local @!p0 [hbm:s0], s1  }
0x9a: {  	s0 =	simm.s32 @!p0 $0x1  }
0x9b: {  	_ =	swait.ge @!p0 [sflag:s0], s1  }
0x9c: {  	s1 =	ssub.s32 @!p0 $0x0, s1;
	[sflag:s0] =	ssyncset.done @!p0 $0x0  }
0x9d: {  	[sflag:s0] =	ssyncadd.s32 @!p0 s1  }
0x9e: {  	[bflag:$0x3] =	sbarrier.arrive $0xFFFF  }
0x9f: {  	_ =	shalt  }

</sc_bundles>
